<compile_context>
chip_gen: v7x
topology: tpu7x:2x2x1
jax: 0.10.2.dev20260603
libtpu: 0.0.44.dev20260713+nightly
codegen_flags: <defaults>
</compile_context>

<pallas_src>
import functools

import jax
import jax.numpy as jnp
from jax import lax
from jax.experimental import pallas as pl
from jax.experimental.pallas import tpu as pltpu
from jax.experimental.pallas import tpu_sc as plsc

COMMIT = 0.25

_NC, _NS = 2, 16
_NW = _NC * _NS
_CH = 128


def _argmin_body(x_ref, w_ref, idx_ref, loss_ref, wt_ref, acc_ref, b_ref,
                 kf_ref, *, nsteps, denom, kcode):
    step = pl.program_id(0) * pl.num_programs(1) + pl.program_id(1)

    x = x_ref[0]
    w = w_ref[0]

    @pl.when(pl.program_id(1) == 0)
    def _():
        b_ref[...] = jnp.sum(w * w, axis=0, keepdims=True)
        wt_ref[0] = w.T

    s2 = jnp.dot(x * (-2.0), w, preferred_element_type=jnp.float32)
    a = jnp.sum(x * x, axis=1, keepdims=True)
    dist = (a + s2) + b_ref[...]

    @pl.when(step == 0)
    def _():
        kf_ref[...] = jax.lax.broadcasted_iota(
            jnp.int32, kf_ref.shape, 1).astype(jnp.float32)

    mn = jnp.min(dist, axis=1, keepdims=True)
    kdim = float(dist.shape[1])
    idxf = jnp.min(jnp.where(dist == mn, kf_ref[...], kdim), axis=1,
                   keepdims=True)
    idx_ref[0] = idxf.astype(jnp.int32) + pl.program_id(0) * kcode

    part = jnp.sum(mn)

    @pl.when(step == 0)
    def _():
        acc_ref[0, 0] = 0.0

    acc_ref[0, 0] += part

    @pl.when(step == nsteps - 1)
    def _():
        loss_ref[0, 0] = acc_ref[0, 0] * ((1.0 + COMMIT) / denom)


def _gather_body(table_hbm, idx_hbm, out_hbm, idx_v, buf0, buf1, gsem, ssem,
                 *, b_per_w, d):
    wid = lax.axis_index("s") * _NC + lax.axis_index("c")
    n_ch = b_per_w // _CH
    base = wid * b_per_w
    pltpu.sync_copy(idx_hbm.at[wid], idx_v)
    bufs = (buf0, buf1)
    gathers = [None] * n_ch
    scatters = [None] * n_ch
    gathers[0] = pltpu.async_copy(table_hbm.at[idx_v.at[0]], buf0, gsem)
    for c in range(n_ch):
        gathers[c].wait()
        scatters[c] = pltpu.make_async_copy(
            bufs[c % 2], out_hbm.at[pl.ds(base + c * _CH, _CH)], ssem)
        scatters[c].start()
        if c + 1 < n_ch:
            if c >= 1:
                scatters[c - 1].wait()
            gathers[c + 1] = pltpu.async_copy(
                table_hbm.at[idx_v.at[c + 1]], bufs[(c + 1) % 2], gsem)
    scatters[n_ch - 1].wait()


@functools.partial(jax.jit, static_argnames=("tb",))
def _vq(inputs, W, tb=1024):
    F, T, D = inputs.shape
    K = W.shape[2]
    nt = T // tb
    B = F * T
    b_per_w = B // _NW

    idx, loss, wt = pl.pallas_call(
        functools.partial(_argmin_body, nsteps=F * nt, denom=float(F * T * D),
                          kcode=K),
        grid=(F, nt),
        in_specs=[
            pl.BlockSpec((1, tb, D), lambda f, t: (f, t, 0)),
            pl.BlockSpec((1, D, K), lambda f, t: (f, 0, 0)),
        ],
        out_specs=[
            pl.BlockSpec((1, tb, 1), lambda f, t: (f, t, 0)),
            pl.BlockSpec(memory_space=pltpu.SMEM),
            pl.BlockSpec((1, K, D), lambda f, t: (f, 0, 0)),
        ],
        out_shape=[
            jax.ShapeDtypeStruct((F, T, 1), jnp.int32),
            jax.ShapeDtypeStruct((1, 1), jnp.float32),
            jax.ShapeDtypeStruct((F, K, D), jnp.float32),
        ],
        scratch_shapes=[pltpu.SMEM((1, 1), jnp.float32),
                        pltpu.VMEM((1, K), jnp.float32),
                        pltpu.VMEM((tb, K), jnp.float32)],
    )(inputs, W)

    table = wt.reshape(F * K, D)
    idx3 = idx.reshape(_NW, b_per_w // _CH, _CH)

    mesh = plsc.VectorSubcoreMesh(core_axis_name="c", subcore_axis_name="s")
    gather = pl.kernel(
        functools.partial(_gather_body, b_per_w=b_per_w, d=D),
        out_type=jax.ShapeDtypeStruct((B, D), jnp.float32),
        mesh=mesh,
        scratch_types=[
            pltpu.VMEM((b_per_w // _CH, _CH), jnp.int32),
            pltpu.VMEM((_CH, D), jnp.float32),
            pltpu.VMEM((_CH, D), jnp.float32),
            pltpu.SemaphoreType.DMA,
            pltpu.SemaphoreType.DMA,
        ],
    )
    out = gather(table, idx3)
    return out.reshape(F, T, D), loss.reshape(())


def kernel(inputs, W):
    return _vq(inputs, W)

# --- scband reference (transcript-rebuilt; emitter-appended) ---
"""Pipeline reference for scband-vector-quantizer-6021544149259 (READ-ONLY COPY).

The authoritative reference and input builder live on the scoring server;
editing this copy changes nothing except your own understanding.
"""

import jax, jax.numpy as jnp
import numpy as np

F, T, D, K = 8, 4096, 256, 1024
COMMITMENT_COST = 0.25

def setup_inputs(seed: int = 0) -> dict:
    key = jax.random.key(seed)
    k1, k2 = jax.random.split(key)
    inputs = jax.random.normal(k1, (F, T, D), dtype=jnp.float32)
    # he_uniform initializer: limit = sqrt(6 / fan_in), fan_in = D for shape (F, D, K)
    limit = float(np.sqrt(6.0 / D))
    W = jax.random.uniform(k2, (F, D, K), dtype=jnp.float32, minval=-limit, maxval=limit)
    return {"inputs": inputs, "W": W}

def reference(inputs, W):
    # distances: [F, T, K]
    distances = (jnp.sum(inputs ** 2, axis=2, keepdims=True)
                 - 2.0 * jnp.einsum('ftd,fdk->ftk', inputs, W)
                 + jnp.sum(W ** 2, axis=1, keepdims=True))
    enc_idx = jnp.argmin(distances, axis=2)  # [F, T]
    Wt = jnp.transpose(W, (0, 2, 1))  # [F, K, D]
    quantized = jnp.take_along_axis(Wt, enc_idx[:, :, None], axis=1)  # [F, T, D]
    e_latent_loss = jnp.mean((jax.lax.stop_gradient(quantized) - inputs) ** 2)
    q_latent_loss = jnp.mean((quantized - jax.lax.stop_gradient(inputs)) ** 2)
    loss = q_latent_loss + COMMITMENT_COST * e_latent_loss
    output = inputs + jax.lax.stop_gradient(quantized - inputs)
    return output, loss

if __name__ == "__main__":
    import jax
    _d = setup_inputs()
    print(jax.jit(kernel)(*tuple(_d.values())))

</pallas_src>

<mosaic_0001>
#map = affine_map<(d0, d1) -> (0, 0)>
#map1 = affine_map<(d0, d1) -> (0, 0, 0)>
module attributes {stable_mosaic.version = 14 : i64} {
  func.func @_gather_body(%arg0: i32, %arg1: i32, %arg2: memref<8192x256xf32, #tpu.memory_space<hbm>>, %arg3: memref<32x8x128xi32, #tpu.memory_space<hbm>>, %arg4: memref<32768x256xf32, #tpu.memory_space<hbm>>, %arg5: memref<8x128xi32, #tpu.memory_space<vmem>>, %arg6: memref<128x256xf32, #tpu.memory_space<vmem>>, %arg7: memref<128x256xf32, #tpu.memory_space<vmem>>, %arg8: memref<!tpu.dma_semaphore, #tpu.memory_space<semaphore_mem>>, %arg9: memref<!tpu.dma_semaphore, #tpu.memory_space<semaphore_mem>>) attributes {dimension_semantics = [#tpu.dimension_semantics<core_parallel>, #tpu.dimension_semantics<subcore_parallel>], iteration_bounds = array<i64: 2, 16>, scalar_prefetch = 0 : i64, scratch_operands = 5 : i64, tpu.core_type = #tpu.core_type<sc_vector_subcore>, window_params = [{transform_indices = #map}, {transform_indices = #map1}, {transform_indices = #map}]} {
    %mul3A = arith.constant 2 : i32
    %mul3A_0 = arith.muli %arg1, %mul3A : i32
    %add3A = arith.addi %mul3A_0, %arg0 : i32
    %mul3A_1 = arith.constant 1024 : i32
    %mul3A_2 = arith.muli %add3A, %mul3A_1 : i32
    "tpu.region"() ({
      %run_scoped3A = tpu.sem_alloc : memref<!tpu.dma_semaphore, #tpu.memory_space<semaphore_mem>>
      %dma_start3A_189 = arith.constant 0 : i32
      %dma_start3A_190 = arith.constant 0 : i32
      %dma_start3A_191 = tpu.memref_slice %arg3[%add3A, %dma_start3A_189, %dma_start3A_190] : memref<32x8x128xi32, #tpu.memory_space<hbm>> -> memref<1x8x128xi32, #tpu.memory_space<hbm>>
      %dma_start3A_192 = tpu.memref_squeeze %dma_start3A_191 : memref<1x8x128xi32, #tpu.memory_space<hbm>> -> memref<8x128xi32, #tpu.memory_space<hbm>>
      %dma_start3A_193 = arith.constant 0 : i32
      %dma_start3A_194 = arith.constant 0 : i32
      %dma_start3A_195 = tpu.memref_slice %arg3[%add3A, %dma_start3A_193, %dma_start3A_194] : memref<32x8x128xi32, #tpu.memory_space<hbm>> -> memref<1x8x128xi32, #tpu.memory_space<hbm>>
      %dma_start3A_196 = tpu.memref_squeeze %dma_start3A_195 : memref<1x8x128xi32, #tpu.memory_space<hbm>> -> memref<8x128xi32, #tpu.memory_space<hbm>>
      tpu.enqueue_dma source(%dma_start3A_196 : memref<8x128xi32, #tpu.memory_space<hbm>>) target(%arg5 : memref<8x128xi32, #tpu.memory_space<vmem>>) target_semaphore(%run_scoped3A : memref<!tpu.dma_semaphore, #tpu.memory_space<semaphore_mem>>)
      %dma_wait3A_197 = arith.constant 0 : i32
      %dma_wait3A_198 = arith.constant 0 : i32
      %dma_wait3A_199 = tpu.memref_slice %arg3[%add3A, %dma_wait3A_197, %dma_wait3A_198] : memref<32x8x128xi32, #tpu.memory_space<hbm>> -> memref<1x8x128xi32, #tpu.memory_space<hbm>>
      %dma_wait3A_200 = tpu.memref_squeeze %dma_wait3A_199 : memref<1x8x128xi32, #tpu.memory_space<hbm>> -> memref<8x128xi32, #tpu.memory_space<hbm>>
      %dma_wait3A_201 = arith.constant 0 : i32
      %dma_wait3A_202 = arith.constant 0 : i32
      %dma_wait3A_203 = tpu.memref_slice %arg3[%add3A, %dma_wait3A_201, %dma_wait3A_202] : memref<32x8x128xi32, #tpu.memory_space<hbm>> -> memref<1x8x128xi32, #tpu.memory_space<hbm>>
      %dma_wait3A_204 = tpu.memref_squeeze %dma_wait3A_203 : memref<1x8x128xi32, #tpu.memory_space<hbm>> -> memref<8x128xi32, #tpu.memory_space<hbm>>
      tpu.wait_dma2 semaphore(%run_scoped3A : memref<!tpu.dma_semaphore, #tpu.memory_space<semaphore_mem>>) src(%dma_wait3A_204 : memref<8x128xi32, #tpu.memory_space<hbm>>) dst(%arg5 : memref<8x128xi32, #tpu.memory_space<vmem>>)
      tpu.yield
    }) : () -> ()
    %dma_start3A = arith.constant 0 : i32
    %dma_start3A_3 = arith.constant 0 : i32
    %dma_start3A_4 = tpu.memref_slice %arg5[%dma_start3A, %dma_start3A_3] : memref<8x128xi32, #tpu.memory_space<vmem>> -> memref<1x128xi32, #tpu.memory_space<vmem>>
    %dma_start3A_5 = tpu.memref_squeeze %dma_start3A_4 : memref<1x128xi32, #tpu.memory_space<vmem>> -> memref<128xi32, #tpu.memory_space<vmem>>
    %dma_start3A_6 = arith.constant 0 : i32
    %dma_start3A_7 = arith.constant 0 : i32
    %dma_start3A_8 = tpu.memref_slice %arg2[%dma_start3A_6, %dma_start3A_7] : memref<8192x256xf32, #tpu.memory_space<hbm>> -> memref<8192x256xf32, #tpu.memory_space<hbm>>
    tpu.enqueue_indirect_dma source(%dma_start3A_8 : memref<8192x256xf32, #tpu.memory_space<hbm>>) target(%arg6 : memref<128x256xf32, #tpu.memory_space<vmem>>) offsets(%dma_start3A_5 : memref<128xi32, #tpu.memory_space<vmem>>) semaphore(%arg8 : memref<!tpu.dma_semaphore, #tpu.memory_space<semaphore_mem>>)
    %dma_wait3A = arith.constant 0 : i32
    %dma_wait3A_9 = arith.constant 0 : i32
    %dma_wait3A_10 = tpu.memref_slice %arg5[%dma_wait3A, %dma_wait3A_9] : memref<8x128xi32, #tpu.memory_space<vmem>> -> memref<1x128xi32, #tpu.memory_space<vmem>>
    %dma_wait3A_11 = tpu.memref_squeeze %dma_wait3A_10 : memref<1x128xi32, #tpu.memory_space<vmem>> -> memref<128xi32, #tpu.memory_space<vmem>>
    %dma_wait3A_12 = arith.constant 0 : i32
    %dma_wait3A_13 = arith.constant 0 : i32
    %dma_wait3A_14 = tpu.memref_slice %arg2[%dma_wait3A_12, %dma_wait3A_13] : memref<8192x256xf32, #tpu.memory_space<hbm>> -> memref<8192x256xf32, #tpu.memory_space<hbm>>
    tpu.wait_indirect_dma semaphore(%arg8 : memref<!tpu.dma_semaphore, #tpu.memory_space<semaphore_mem>>) src(%dma_wait3A_14 : memref<8192x256xf32, #tpu.memory_space<hbm>>) dst(%arg6 : memref<128x256xf32, #tpu.memory_space<vmem>>)
    %add3A_15 = arith.constant 0 : i32
    %add3A_16 = arith.addi %mul3A_2, %add3A_15 : i32
    %dma_start3A_17 = arith.constant 0 : i32
    %dma_start3A_18 = tpu.memref_slice %arg4[%add3A_16, %dma_start3A_17] : memref<32768x256xf32, #tpu.memory_space<hbm>> -> memref<128x256xf32, #tpu.memory_space<hbm>>
    %dma_start3A_19 = arith.constant 0 : i32
    %dma_start3A_20 = tpu.memref_slice %arg4[%add3A_16, %dma_start3A_19] : memref<32768x256xf32, #tpu.memory_space<hbm>> -> memref<128x256xf32, #tpu.memory_space<hbm>>
    tpu.enqueue_dma source(%arg6 : memref<128x256xf32, #tpu.memory_space<vmem>>) target(%dma_start3A_20 : memref<128x256xf32, #tpu.memory_space<hbm>>) target_semaphore(%arg9 : memref<!tpu.dma_semaphore, #tpu.memory_space<semaphore_mem>>)
    %dma_start3A_21 = arith.constant 1 : i32
    %dma_start3A_22 = arith.constant 0 : i32
    %dma_start3A_23 = tpu.memref_slice %arg5[%dma_start3A_21, %dma_start3A_22] : memref<8x128xi32, #tpu.memory_space<vmem>> -> memref<1x128xi32, #tpu.memory_space<vmem>>
    %dma_start3A_24 = tpu.memref_squeeze %dma_start3A_23 : memref<1x128xi32, #tpu.memory_space<vmem>> -> memref<128xi32, #tpu.memory_space<vmem>>
    %dma_start3A_25 = arith.constant 0 : i32
    %dma_start3A_26 = arith.constant 0 : i32
    %dma_start3A_27 = tpu.memref_slice %arg2[%dma_start3A_25, %dma_start3A_26] : memref<8192x256xf32, #tpu.memory_space<hbm>> -> memref<8192x256xf32, #tpu.memory_space<hbm>>
    tpu.enqueue_indirect_dma source(%dma_start3A_27 : memref<8192x256xf32, #tpu.memory_space<hbm>>) target(%arg7 : memref<128x256xf32, #tpu.memory_space<vmem>>) offsets(%dma_start3A_24 : memref<128xi32, #tpu.memory_space<vmem>>) semaphore(%arg8 : memref<!tpu.dma_semaphore, #tpu.memory_space<semaphore_mem>>)
    %dma_wait3A_28 = arith.constant 1 : i32
    %dma_wait3A_29 = arith.constant 0 : i32
    %dma_wait3A_30 = tpu.memref_slice %arg5[%dma_wait3A_28, %dma_wait3A_29] : memref<8x128xi32, #tpu.memory_space<vmem>> -> memref<1x128xi32, #tpu.memory_space<vmem>>
    %dma_wait3A_31 = tpu.memref_squeeze %dma_wait3A_30 : memref<1x128xi32, #tpu.memory_space<vmem>> -> memref<128xi32, #tpu.memory_space<vmem>>
    %dma_wait3A_32 = arith.constant 0 : i32
    %dma_wait3A_33 = arith.constant 0 : i32
    %dma_wait3A_34 = tpu.memref_slice %arg2[%dma_wait3A_32, %dma_wait3A_33] : memref<8192x256xf32, #tpu.memory_space<hbm>> -> memref<8192x256xf32, #tpu.memory_space<hbm>>
    tpu.wait_indirect_dma semaphore(%arg8 : memref<!tpu.dma_semaphore, #tpu.memory_space<semaphore_mem>>) src(%dma_wait3A_34 : memref<8192x256xf32, #tpu.memory_space<hbm>>) dst(%arg7 : memref<128x256xf32, #tpu.memory_space<vmem>>)
    %add3A_35 = arith.constant 128 : i32
    %add3A_36 = arith.addi %mul3A_2, %add3A_35 : i32
    %dma_start3A_37 = arith.constant 0 : i32
    %dma_start3A_38 = tpu.memref_slice %arg4[%add3A_36, %dma_start3A_37] : memref<32768x256xf32, #tpu.memory_space<hbm>> -> memref<128x256xf32, #tpu.memory_space<hbm>>
    %dma_start3A_39 = arith.constant 0 : i32
    %dma_start3A_40 = tpu.memref_slice %arg4[%add3A_36, %dma_start3A_39] : memref<32768x256xf32, #tpu.memory_space<hbm>> -> memref<128x256xf32, #tpu.memory_space<hbm>>
    tpu.enqueue_dma source(%arg7 : memref<128x256xf32, #tpu.memory_space<vmem>>) target(%dma_start3A_40 : memref<128x256xf32, #tpu.memory_space<hbm>>) target_semaphore(%arg9 : memref<!tpu.dma_semaphore, #tpu.memory_space<semaphore_mem>>)
    %dma_wait3A_41 = arith.constant 0 : i32
    %dma_wait3A_42 = tpu.memref_slice %arg4[%add3A_16, %dma_wait3A_41] : memref<32768x256xf32, #tpu.memory_space<hbm>> -> memref<128x256xf32, #tpu.memory_space<hbm>>
    %dma_wait3A_43 = arith.constant 0 : i32
    %dma_wait3A_44 = tpu.memref_slice %arg4[%add3A_16, %dma_wait3A_43] : memref<32768x256xf32, #tpu.memory_space<hbm>> -> memref<128x256xf32, #tpu.memory_space<hbm>>
    tpu.wait_dma2 semaphore(%arg9 : memref<!tpu.dma_semaphore, #tpu.memory_space<semaphore_mem>>) src(%arg6 : memref<128x256xf32, #tpu.memory_space<vmem>>) dst(%dma_wait3A_44 : memref<128x256xf32, #tpu.memory_space<hbm>>)
    %dma_start3A_45 = arith.constant 2 : i32
    %dma_start3A_46 = arith.constant 0 : i32
    %dma_start3A_47 = tpu.memref_slice %arg5[%dma_start3A_45, %dma_start3A_46] : memref<8x128xi32, #tpu.memory_space<vmem>> -> memref<1x128xi32, #tpu.memory_space<vmem>>
    %dma_start3A_48 = tpu.memref_squeeze %dma_start3A_47 : memref<1x128xi32, #tpu.memory_space<vmem>> -> memref<128xi32, #tpu.memory_space<vmem>>
    %dma_start3A_49 = arith.constant 0 : i32
    %dma_start3A_50 = arith.constant 0 : i32
    %dma_start3A_51 = tpu.memref_slice %arg2[%dma_start3A_49, %dma_start3A_50] : memref<8192x256xf32, #tpu.memory_space<hbm>> -> memref<8192x256xf32, #tpu.memory_space<hbm>>
    tpu.enqueue_indirect_dma source(%dma_start3A_51 : memref<8192x256xf32, #tpu.memory_space<hbm>>) target(%arg6 : memref<128x256xf32, #tpu.memory_space<vmem>>) offsets(%dma_start3A_48 : memref<128xi32, #tpu.memory_space<vmem>>) semaphore(%arg8 : memref<!tpu.dma_semaphore, #tpu.memory_space<semaphore_mem>>)
    %dma_wait3A_52 = arith.constant 2 : i32
    %dma_wait3A_53 = arith.constant 0 : i32
    %dma_wait3A_54 = tpu.memref_slice %arg5[%dma_wait3A_52, %dma_wait3A_53] : memref<8x128xi32, #tpu.memory_space<vmem>> -> memref<1x128xi32, #tpu.memory_space<vmem>>
    %dma_wait3A_55 = tpu.memref_squeeze %dma_wait3A_54 : memref<1x128xi32, #tpu.memory_space<vmem>> -> memref<128xi32, #tpu.memory_space<vmem>>
    %dma_wait3A_56 = arith.constant 0 : i32
    %dma_wait3A_57 = arith.constant 0 : i32
    %dma_wait3A_58 = tpu.memref_slice %arg2[%dma_wait3A_56, %dma_wait3A_57] : memref<8192x256xf32, #tpu.memory_space<hbm>> -> memref<8192x256xf32, #tpu.memory_space<hbm>>
    tpu.wait_indirect_dma semaphore(%arg8 : memref<!tpu.dma_semaphore, #tpu.memory_space<semaphore_mem>>) src(%dma_wait3A_58 : memref<8192x256xf32, #tpu.memory_space<hbm>>) dst(%arg6 : memref<128x256xf32, #tpu.memory_space<vmem>>)
    %add3A_59 = arith.constant 256 : i32
    %add3A_60 = arith.addi %mul3A_2, %add3A_59 : i32
    %dma_start3A_61 = arith.constant 0 : i32
    %dma_start3A_62 = tpu.memref_slice %arg4[%add3A_60, %dma_start3A_61] : memref<32768x256xf32, #tpu.memory_space<hbm>> -> memref<128x256xf32, #tpu.memory_space<hbm>>
    %dma_start3A_63 = arith.constant 0 : i32
    %dma_start3A_64 = tpu.memref_slice %arg4[%add3A_60, %dma_start3A_63] : memref<32768x256xf32, #tpu.memory_space<hbm>> -> memref<128x256xf32, #tpu.memory_space<hbm>>
    tpu.enqueue_dma source(%arg6 : memref<128x256xf32, #tpu.memory_space<vmem>>) target(%dma_start3A_64 : memref<128x256xf32, #tpu.memory_space<hbm>>) target_semaphore(%arg9 : memref<!tpu.dma_semaphore, #tpu.memory_space<semaphore_mem>>)
    %dma_wait3A_65 = arith.constant 0 : i32
    %dma_wait3A_66 = tpu.memref_slice %arg4[%add3A_36, %dma_wait3A_65] : memref<32768x256xf32, #tpu.memory_space<hbm>> -> memref<128x256xf32, #tpu.memory_space<hbm>>
    %dma_wait3A_67 = arith.constant 0 : i32
    %dma_wait3A_68 = tpu.memref_slice %arg4[%add3A_36, %dma_wait3A_67] : memref<32768x256xf32, #tpu.memory_space<hbm>> -> memref<128x256xf32, #tpu.memory_space<hbm>>
    tpu.wait_dma2 semaphore(%arg9 : memref<!tpu.dma_semaphore, #tpu.memory_space<semaphore_mem>>) src(%arg7 : memref<128x256xf32, #tpu.memory_space<vmem>>) dst(%dma_wait3A_68 : memref<128x256xf32, #tpu.memory_space<hbm>>)
    %dma_start3A_69 = arith.constant 3 : i32
    %dma_start3A_70 = arith.constant 0 : i32
    %dma_start3A_71 = tpu.memref_slice %arg5[%dma_start3A_69, %dma_start3A_70] : memref<8x128xi32, #tpu.memory_space<vmem>> -> memref<1x128xi32, #tpu.memory_space<vmem>>
    %dma_start3A_72 = tpu.memref_squeeze %dma_start3A_71 : memref<1x128xi32, #tpu.memory_space<vmem>> -> memref<128xi32, #tpu.memory_space<vmem>>
    %dma_start3A_73 = arith.constant 0 : i32
    %dma_start3A_74 = arith.constant 0 : i32
    %dma_start3A_75 = tpu.memref_slice %arg2[%dma_start3A_73, %dma_start3A_74] : memref<8192x256xf32, #tpu.memory_space<hbm>> -> memref<8192x256xf32, #tpu.memory_space<hbm>>
    tpu.enqueue_indirect_dma source(%dma_start3A_75 : memref<8192x256xf32, #tpu.memory_space<hbm>>) target(%arg7 : memref<128x256xf32, #tpu.memory_space<vmem>>) offsets(%dma_start3A_72 : memref<128xi32, #tpu.memory_space<vmem>>) semaphore(%arg8 : memref<!tpu.dma_semaphore, #tpu.memory_space<semaphore_mem>>)
    %dma_wait3A_76 = arith.constant 3 : i32
    %dma_wait3A_77 = arith.constant 0 : i32
    %dma_wait3A_78 = tpu.memref_slice %arg5[%dma_wait3A_76, %dma_wait3A_77] : memref<8x128xi32, #tpu.memory_space<vmem>> -> memref<1x128xi32, #tpu.memory_space<vmem>>
    %dma_wait3A_79 = tpu.memref_squeeze %dma_wait3A_78 : memref<1x128xi32, #tpu.memory_space<vmem>> -> memref<128xi32, #tpu.memory_space<vmem>>
    %dma_wait3A_80 = arith.constant 0 : i32
    %dma_wait3A_81 = arith.constant 0 : i32
    %dma_wait3A_82 = tpu.memref_slice %arg2[%dma_wait3A_80, %dma_wait3A_81] : memref<8192x256xf32, #tpu.memory_space<hbm>> -> memref<8192x256xf32, #tpu.memory_space<hbm>>
    tpu.wait_indirect_dma semaphore(%arg8 : memref<!tpu.dma_semaphore, #tpu.memory_space<semaphore_mem>>) src(%dma_wait3A_82 : memref<8192x256xf32, #tpu.memory_space<hbm>>) dst(%arg7 : memref<128x256xf32, #tpu.memory_space<vmem>>)
    %add3A_83 = arith.constant 384 : i32
    %add3A_84 = arith.addi %mul3A_2, %add3A_83 : i32
    %dma_start3A_85 = arith.constant 0 : i32
    %dma_start3A_86 = tpu.memref_slice %arg4[%add3A_84, %dma_start3A_85] : memref<32768x256xf32, #tpu.memory_space<hbm>> -> memref<128x256xf32, #tpu.memory_space<hbm>>
    %dma_start3A_87 = arith.constant 0 : i32
    %dma_start3A_88 = tpu.memref_slice %arg4[%add3A_84, %dma_start3A_87] : memref<32768x256xf32, #tpu.memory_space<hbm>> -> memref<128x256xf32, #tpu.memory_space<hbm>>
    tpu.enqueue_dma source(%arg7 : memref<128x256xf32, #tpu.memory_space<vmem>>) target(%dma_start3A_88 : memref<128x256xf32, #tpu.memory_space<hbm>>) target_semaphore(%arg9 : memref<!tpu.dma_semaphore, #tpu.memory_space<semaphore_mem>>)
    %dma_wait3A_89 = arith.constant 0 : i32
    %dma_wait3A_90 = tpu.memref_slice %arg4[%add3A_60, %dma_wait3A_89] : memref<32768x256xf32, #tpu.memory_space<hbm>> -> memref<128x256xf32, #tpu.memory_space<hbm>>
    %dma_wait3A_91 = arith.constant 0 : i32
    %dma_wait3A_92 = tpu.memref_slice %arg4[%add3A_60, %dma_wait3A_91] : memref<32768x256xf32, #tpu.memory_space<hbm>> -> memref<128x256xf32, #tpu.memory_space<hbm>>
    tpu.wait_dma2 semaphore(%arg9 : memref<!tpu.dma_semaphore, #tpu.memory_space<semaphore_mem>>) src(%arg6 : memref<128x256xf32, #tpu.memory_space<vmem>>) dst(%dma_wait3A_92 : memref<128x256xf32, #tpu.memory_space<hbm>>)
    %dma_start3A_93 = arith.constant 4 : i32
    %dma_start3A_94 = arith.constant 0 : i32
    %dma_start3A_95 = tpu.memref_slice %arg5[%dma_start3A_93, %dma_start3A_94] : memref<8x128xi32, #tpu.memory_space<vmem>> -> memref<1x128xi32, #tpu.memory_space<vmem>>
    %dma_start3A_96 = tpu.memref_squeeze %dma_start3A_95 : memref<1x128xi32, #tpu.memory_space<vmem>> -> memref<128xi32, #tpu.memory_space<vmem>>
    %dma_start3A_97 = arith.constant 0 : i32
    %dma_start3A_98 = arith.constant 0 : i32
    %dma_start3A_99 = tpu.memref_slice %arg2[%dma_start3A_97, %dma_start3A_98] : memref<8192x256xf32, #tpu.memory_space<hbm>> -> memref<8192x256xf32, #tpu.memory_space<hbm>>
    tpu.enqueue_indirect_dma source(%dma_start3A_99 : memref<8192x256xf32, #tpu.memory_space<hbm>>) target(%arg6 : memref<128x256xf32, #tpu.memory_space<vmem>>) offsets(%dma_start3A_96 : memref<128xi32, #tpu.memory_space<vmem>>) semaphore(%arg8 : memref<!tpu.dma_semaphore, #tpu.memory_space<semaphore_mem>>)
    %dma_wait3A_100 = arith.constant 4 : i32
    %dma_wait3A_101 = arith.constant 0 : i32
    %dma_wait3A_102 = tpu.memref_slice %arg5[%dma_wait3A_100, %dma_wait3A_101] : memref<8x128xi32, #tpu.memory_space<vmem>> -> memref<1x128xi32, #tpu.memory_space<vmem>>
    %dma_wait3A_103 = tpu.memref_squeeze %dma_wait3A_102 : memref<1x128xi32, #tpu.memory_space<vmem>> -> memref<128xi32, #tpu.memory_space<vmem>>
    %dma_wait3A_104 = arith.constant 0 : i32
    %dma_wait3A_105 = arith.constant 0 : i32
    %dma_wait3A_106 = tpu.memref_slice %arg2[%dma_wait3A_104, %dma_wait3A_105] : memref<8192x256xf32, #tpu.memory_space<hbm>> -> memref<8192x256xf32, #tpu.memory_space<hbm>>
    tpu.wait_indirect_dma semaphore(%arg8 : memref<!tpu.dma_semaphore, #tpu.memory_space<semaphore_mem>>) src(%dma_wait3A_106 : memref<8192x256xf32, #tpu.memory_space<hbm>>) dst(%arg6 : memref<128x256xf32, #tpu.memory_space<vmem>>)
    %add3A_107 = arith.constant 512 : i32
    %add3A_108 = arith.addi %mul3A_2, %add3A_107 : i32
    %dma_start3A_109 = arith.constant 0 : i32
    %dma_start3A_110 = tpu.memref_slice %arg4[%add3A_108, %dma_start3A_109] : memref<32768x256xf32, #tpu.memory_space<hbm>> -> memref<128x256xf32, #tpu.memory_space<hbm>>
    %dma_start3A_111 = arith.constant 0 : i32
    %dma_start3A_112 = tpu.memref_slice %arg4[%add3A_108, %dma_start3A_111] : memref<32768x256xf32, #tpu.memory_space<hbm>> -> memref<128x256xf32, #tpu.memory_space<hbm>>
    tpu.enqueue_dma source(%arg6 : memref<128x256xf32, #tpu.memory_space<vmem>>) target(%dma_start3A_112 : memref<128x256xf32, #tpu.memory_space<hbm>>) target_semaphore(%arg9 : memref<!tpu.dma_semaphore, #tpu.memory_space<semaphore_mem>>)
    %dma_wait3A_113 = arith.constant 0 : i32
    %dma_wait3A_114 = tpu.memref_slice %arg4[%add3A_84, %dma_wait3A_113] : memref<32768x256xf32, #tpu.memory_space<hbm>> -> memref<128x256xf32, #tpu.memory_space<hbm>>
    %dma_wait3A_115 = arith.constant 0 : i32
    %dma_wait3A_116 = tpu.memref_slice %arg4[%add3A_84, %dma_wait3A_115] : memref<32768x256xf32, #tpu.memory_space<hbm>> -> memref<128x256xf32, #tpu.memory_space<hbm>>
    tpu.wait_dma2 semaphore(%arg9 : memref<!tpu.dma_semaphore, #tpu.memory_space<semaphore_mem>>) src(%arg7 : memref<128x256xf32, #tpu.memory_space<vmem>>) dst(%dma_wait3A_116 : memref<128x256xf32, #tpu.memory_space<hbm>>)
    %dma_start3A_117 = arith.constant 5 : i32
    %dma_start3A_118 = arith.constant 0 : i32
    %dma_start3A_119 = tpu.memref_slice %arg5[%dma_start3A_117, %dma_start3A_118] : memref<8x128xi32, #tpu.memory_space<vmem>> -> memref<1x128xi32, #tpu.memory_space<vmem>>
    %dma_start3A_120 = tpu.memref_squeeze %dma_start3A_119 : memref<1x128xi32, #tpu.memory_space<vmem>> -> memref<128xi32, #tpu.memory_space<vmem>>
    %dma_start3A_121 = arith.constant 0 : i32
    %dma_start3A_122 = arith.constant 0 : i32
    %dma_start3A_123 = tpu.memref_slice %arg2[%dma_start3A_121, %dma_start3A_122] : memref<8192x256xf32, #tpu.memory_space<hbm>> -> memref<8192x256xf32, #tpu.memory_space<hbm>>
    tpu.enqueue_indirect_dma source(%dma_start3A_123 : memref<8192x256xf32, #tpu.memory_space<hbm>>) target(%arg7 : memref<128x256xf32, #tpu.memory_space<vmem>>) offsets(%dma_start3A_120 : memref<128xi32, #tpu.memory_space<vmem>>) semaphore(%arg8 : memref<!tpu.dma_semaphore, #tpu.memory_space<semaphore_mem>>)
    %dma_wait3A_124 = arith.constant 5 : i32
    %dma_wait3A_125 = arith.constant 0 : i32
    %dma_wait3A_126 = tpu.memref_slice %arg5[%dma_wait3A_124, %dma_wait3A_125] : memref<8x128xi32, #tpu.memory_space<vmem>> -> memref<1x128xi32, #tpu.memory_space<vmem>>
    %dma_wait3A_127 = tpu.memref_squeeze %dma_wait3A_126 : memref<1x128xi32, #tpu.memory_space<vmem>> -> memref<128xi32, #tpu.memory_space<vmem>>
    %dma_wait3A_128 = arith.constant 0 : i32
    %dma_wait3A_129 = arith.constant 0 : i32
    %dma_wait3A_130 = tpu.memref_slice %arg2[%dma_wait3A_128, %dma_wait3A_129] : memref<8192x256xf32, #tpu.memory_space<hbm>> -> memref<8192x256xf32, #tpu.memory_space<hbm>>
    tpu.wait_indirect_dma semaphore(%arg8 : memref<!tpu.dma_semaphore, #tpu.memory_space<semaphore_mem>>) src(%dma_wait3A_130 : memref<8192x256xf32, #tpu.memory_space<hbm>>) dst(%arg7 : memref<128x256xf32, #tpu.memory_space<vmem>>)
    %add3A_131 = arith.constant 640 : i32
    %add3A_132 = arith.addi %mul3A_2, %add3A_131 : i32
    %dma_start3A_133 = arith.constant 0 : i32
    %dma_start3A_134 = tpu.memref_slice %arg4[%add3A_132, %dma_start3A_133] : memref<32768x256xf32, #tpu.memory_space<hbm>> -> memref<128x256xf32, #tpu.memory_space<hbm>>
    %dma_start3A_135 = arith.constant 0 : i32
    %dma_start3A_136 = tpu.memref_slice %arg4[%add3A_132, %dma_start3A_135] : memref<32768x256xf32, #tpu.memory_space<hbm>> -> memref<128x256xf32, #tpu.memory_space<hbm>>
    tpu.enqueue_dma source(%arg7 : memref<128x256xf32, #tpu.memory_space<vmem>>) target(%dma_start3A_136 : memref<128x256xf32, #tpu.memory_space<hbm>>) target_semaphore(%arg9 : memref<!tpu.dma_semaphore, #tpu.memory_space<semaphore_mem>>)
    %dma_wait3A_137 = arith.constant 0 : i32
    %dma_wait3A_138 = tpu.memref_slice %arg4[%add3A_108, %dma_wait3A_137] : memref<32768x256xf32, #tpu.memory_space<hbm>> -> memref<128x256xf32, #tpu.memory_space<hbm>>
    %dma_wait3A_139 = arith.constant 0 : i32
    %dma_wait3A_140 = tpu.memref_slice %arg4[%add3A_108, %dma_wait3A_139] : memref<32768x256xf32, #tpu.memory_space<hbm>> -> memref<128x256xf32, #tpu.memory_space<hbm>>
    tpu.wait_dma2 semaphore(%arg9 : memref<!tpu.dma_semaphore, #tpu.memory_space<semaphore_mem>>) src(%arg6 : memref<128x256xf32, #tpu.memory_space<vmem>>) dst(%dma_wait3A_140 : memref<128x256xf32, #tpu.memory_space<hbm>>)
    %dma_start3A_141 = arith.constant 6 : i32
    %dma_start3A_142 = arith.constant 0 : i32
    %dma_start3A_143 = tpu.memref_slice %arg5[%dma_start3A_141, %dma_start3A_142] : memref<8x128xi32, #tpu.memory_space<vmem>> -> memref<1x128xi32, #tpu.memory_space<vmem>>
    %dma_start3A_144 = tpu.memref_squeeze %dma_start3A_143 : memref<1x128xi32, #tpu.memory_space<vmem>> -> memref<128xi32, #tpu.memory_space<vmem>>
    %dma_start3A_145 = arith.constant 0 : i32
    %dma_start3A_146 = arith.constant 0 : i32
    %dma_start3A_147 = tpu.memref_slice %arg2[%dma_start3A_145, %dma_start3A_146] : memref<8192x256xf32, #tpu.memory_space<hbm>> -> memref<8192x256xf32, #tpu.memory_space<hbm>>
    tpu.enqueue_indirect_dma source(%dma_start3A_147 : memref<8192x256xf32, #tpu.memory_space<hbm>>) target(%arg6 : memref<128x256xf32, #tpu.memory_space<vmem>>) offsets(%dma_start3A_144 : memref<128xi32, #tpu.memory_space<vmem>>) semaphore(%arg8 : memref<!tpu.dma_semaphore, #tpu.memory_space<semaphore_mem>>)
    %dma_wait3A_148 = arith.constant 6 : i32
    %dma_wait3A_149 = arith.constant 0 : i32
    %dma_wait3A_150 = tpu.memref_slice %arg5[%dma_wait3A_148, %dma_wait3A_149] : memref<8x128xi32, #tpu.memory_space<vmem>> -> memref<1x128xi32, #tpu.memory_space<vmem>>
    %dma_wait3A_151 = tpu.memref_squeeze %dma_wait3A_150 : memref<1x128xi32, #tpu.memory_space<vmem>> -> memref<128xi32, #tpu.memory_space<vmem>>
    %dma_wait3A_152 = arith.constant 0 : i32
    %dma_wait3A_153 = arith.constant 0 : i32
    %dma_wait3A_154 = tpu.memref_slice %arg2[%dma_wait3A_152, %dma_wait3A_153] : memref<8192x256xf32, #tpu.memory_space<hbm>> -> memref<8192x256xf32, #tpu.memory_space<hbm>>
    tpu.wait_indirect_dma semaphore(%arg8 : memref<!tpu.dma_semaphore, #tpu.memory_space<semaphore_mem>>) src(%dma_wait3A_154 : memref<8192x256xf32, #tpu.memory_space<hbm>>) dst(%arg6 : memref<128x256xf32, #tpu.memory_space<vmem>>)
    %add3A_155 = arith.constant 768 : i32
    %add3A_156 = arith.addi %mul3A_2, %add3A_155 : i32
    %dma_start3A_157 = arith.constant 0 : i32
    %dma_start3A_158 = tpu.memref_slice %arg4[%add3A_156, %dma_start3A_157] : memref<32768x256xf32, #tpu.memory_space<hbm>> -> memref<128x256xf32, #tpu.memory_space<hbm>>
    %dma_start3A_159 = arith.constant 0 : i32
    %dma_start3A_160 = tpu.memref_slice %arg4[%add3A_156, %dma_start3A_159] : memref<32768x256xf32, #tpu.memory_space<hbm>> -> memref<128x256xf32, #tpu.memory_space<hbm>>
    tpu.enqueue_dma source(%arg6 : memref<128x256xf32, #tpu.memory_space<vmem>>) target(%dma_start3A_160 : memref<128x256xf32, #tpu.memory_space<hbm>>) target_semaphore(%arg9 : memref<!tpu.dma_semaphore, #tpu.memory_space<semaphore_mem>>)
    %dma_wait3A_161 = arith.constant 0 : i32
    %dma_wait3A_162 = tpu.memref_slice %arg4[%add3A_132, %dma_wait3A_161] : memref<32768x256xf32, #tpu.memory_space<hbm>> -> memref<128x256xf32, #tpu.memory_space<hbm>>
    %dma_wait3A_163 = arith.constant 0 : i32
    %dma_wait3A_164 = tpu.memref_slice %arg4[%add3A_132, %dma_wait3A_163] : memref<32768x256xf32, #tpu.memory_space<hbm>> -> memref<128x256xf32, #tpu.memory_space<hbm>>
    tpu.wait_dma2 semaphore(%arg9 : memref<!tpu.dma_semaphore, #tpu.memory_space<semaphore_mem>>) src(%arg7 : memref<128x256xf32, #tpu.memory_space<vmem>>) dst(%dma_wait3A_164 : memref<128x256xf32, #tpu.memory_space<hbm>>)
    %dma_start3A_165 = arith.constant 7 : i32
    %dma_start3A_166 = arith.constant 0 : i32
    %dma_start3A_167 = tpu.memref_slice %arg5[%dma_start3A_165, %dma_start3A_166] : memref<8x128xi32, #tpu.memory_space<vmem>> -> memref<1x128xi32, #tpu.memory_space<vmem>>
    %dma_start3A_168 = tpu.memref_squeeze %dma_start3A_167 : memref<1x128xi32, #tpu.memory_space<vmem>> -> memref<128xi32, #tpu.memory_space<vmem>>
    %dma_start3A_169 = arith.constant 0 : i32
    %dma_start3A_170 = arith.constant 0 : i32
    %dma_start3A_171 = tpu.memref_slice %arg2[%dma_start3A_169, %dma_start3A_170] : memref<8192x256xf32, #tpu.memory_space<hbm>> -> memref<8192x256xf32, #tpu.memory_space<hbm>>
    tpu.enqueue_indirect_dma source(%dma_start3A_171 : memref<8192x256xf32, #tpu.memory_space<hbm>>) target(%arg7 : memref<128x256xf32, #tpu.memory_space<vmem>>) offsets(%dma_start3A_168 : memref<128xi32, #tpu.memory_space<vmem>>) semaphore(%arg8 : memref<!tpu.dma_semaphore, #tpu.memory_space<semaphore_mem>>)
    %dma_wait3A_172 = arith.constant 7 : i32
    %dma_wait3A_173 = arith.constant 0 : i32
    %dma_wait3A_174 = tpu.memref_slice %arg5[%dma_wait3A_172, %dma_wait3A_173] : memref<8x128xi32, #tpu.memory_space<vmem>> -> memref<1x128xi32, #tpu.memory_space<vmem>>
    %dma_wait3A_175 = tpu.memref_squeeze %dma_wait3A_174 : memref<1x128xi32, #tpu.memory_space<vmem>> -> memref<128xi32, #tpu.memory_space<vmem>>
    %dma_wait3A_176 = arith.constant 0 : i32
    %dma_wait3A_177 = arith.constant 0 : i32
    %dma_wait3A_178 = tpu.memref_slice %arg2[%dma_wait3A_176, %dma_wait3A_177] : memref<8192x256xf32, #tpu.memory_space<hbm>> -> memref<8192x256xf32, #tpu.memory_space<hbm>>
    tpu.wait_indirect_dma semaphore(%arg8 : memref<!tpu.dma_semaphore, #tpu.memory_space<semaphore_mem>>) src(%dma_wait3A_178 : memref<8192x256xf32, #tpu.memory_space<hbm>>) dst(%arg7 : memref<128x256xf32, #tpu.memory_space<vmem>>)
    %add3A_179 = arith.constant 896 : i32
    %add3A_180 = arith.addi %mul3A_2, %add3A_179 : i32
    %dma_start3A_181 = arith.constant 0 : i32
    %dma_start3A_182 = tpu.memref_slice %arg4[%add3A_180, %dma_start3A_181] : memref<32768x256xf32, #tpu.memory_space<hbm>> -> memref<128x256xf32, #tpu.memory_space<hbm>>
    %dma_start3A_183 = arith.constant 0 : i32
    %dma_start3A_184 = tpu.memref_slice %arg4[%add3A_180, %dma_start3A_183] : memref<32768x256xf32, #tpu.memory_space<hbm>> -> memref<128x256xf32, #tpu.memory_space<hbm>>
    tpu.enqueue_dma source(%arg7 : memref<128x256xf32, #tpu.memory_space<vmem>>) target(%dma_start3A_184 : memref<128x256xf32, #tpu.memory_space<hbm>>) target_semaphore(%arg9 : memref<!tpu.dma_semaphore, #tpu.memory_space<semaphore_mem>>)
    %dma_wait3A_185 = arith.constant 0 : i32
    %dma_wait3A_186 = tpu.memref_slice %arg4[%add3A_180, %dma_wait3A_185] : memref<32768x256xf32, #tpu.memory_space<hbm>> -> memref<128x256xf32, #tpu.memory_space<hbm>>
    %dma_wait3A_187 = arith.constant 0 : i32
    %dma_wait3A_188 = tpu.memref_slice %arg4[%add3A_180, %dma_wait3A_187] : memref<32768x256xf32, #tpu.memory_space<hbm>> -> memref<128x256xf32, #tpu.memory_space<hbm>>
    tpu.wait_dma2 semaphore(%arg9 : memref<!tpu.dma_semaphore, #tpu.memory_space<semaphore_mem>>) src(%arg7 : memref<128x256xf32, #tpu.memory_space<vmem>>) dst(%dma_wait3A_188 : memref<128x256xf32, #tpu.memory_space<hbm>>)
    return
  }
}

module attributes {stable_mosaic.version = 14 : i64} {
  func.func @_argmin_body(%arg0: i32, %arg1: i32, %arg2: memref<1x1024x256xf32, #tpu.memory_space<vmem>>, %arg3: memref<1x256x1024xf32, #tpu.memory_space<vmem>>, %arg4: memref<1x1024x1xi32, #tpu.memory_space<vmem>>, %arg5: memref<1x1xf32, #tpu.memory_space<smem>>, %arg6: memref<1x1024x256xf32, #tpu.memory_space<vmem>>, %arg7: memref<1x1xf32, #tpu.memory_space<smem>>, %arg8: memref<1x1024xf32, #tpu.memory_space<vmem>>, %arg9: memref<1024x1024xf32, #tpu.memory_space<vmem>>) attributes {dimension_semantics = [#tpu.dimension_semantics<arbitrary>, #tpu.dimension_semantics<arbitrary>], iteration_bounds = array<i64: 8, 4>, scalar_prefetch = 0 : i64, scratch_operands = 3 : i64, tpu.core_type = #tpu.core_type<tc>, window_params = [{transform_indices = @transform_0, window_bounds = array<i64: 1, 1024, 256>}, {transform_indices = @transform_1, window_bounds = array<i64: 1, 256, 1024>}, {transform_indices = @transform_2, window_bounds = array<i64: 1, 1024, 1>}, {transform_indices = @transform_3, window_bounds = array<i64: 1, 1>}, {transform_indices = @transform_4, window_bounds = array<i64: 1, 1024, 256>}]} {
    %mul3A = arith.constant 4 : i32
    %mul3A_0 = arith.muli %arg0, %mul3A : i32
    %add3A = arith.addi %mul3A_0, %arg1 : i32
    %get3A = arith.constant 0 : index
    %get3A_1 = arith.constant 0 : index
    %get3A_2 = arith.constant 0 : index
    %get3A_3 = vector.load %arg2[%get3A, %get3A_1, %get3A_2] : memref<1x1024x256xf32, #tpu.memory_space<vmem>>, vector<1x1024x256xf32>
    %get3A_4 = vector.shape_cast %get3A_3 : vector<1x1024x256xf32> to vector<1024x256xf32>
    %get3A_5 = arith.constant 0 : index
    %get3A_6 = arith.constant 0 : index
    %get3A_7 = arith.constant 0 : index
    %get3A_8 = vector.load %arg3[%get3A_5, %get3A_6, %get3A_7] : memref<1x256x1024xf32, #tpu.memory_space<vmem>>, vector<1x256x1024xf32>
    %get3A_9 = vector.shape_cast %get3A_8 : vector<1x256x1024xf32> to vector<256x1024xf32>
    %eq3A = arith.constant 0 : i32
    %eq3A_10 = arith.cmpi eq, %arg1, %eq3A : i32
    %convert_element_type3A = arith.extui %eq3A_10 : i1 to i32
    %cond3A = arith.constant 0 : i32
    %cond3A_11 = arith.cmpi ne, %convert_element_type3A, %cond3A : i32
    scf.if %cond3A_11 {
      %mul3A_73 = arith.mulf %get3A_9, %get3A_9 : vector<256x1024xf32>
      %reduce_sum3A_74 = arith.constant dense<0.000000e+00> : vector<1024xf32>
      %reduce_sum3A_75 = vector.multi_reduction <add>, %mul3A_73, %reduce_sum3A_74 [0] : vector<256x1024xf32> to vector<1024xf32>
      %broadcast_in_dim3A_76 = vector.shape_cast %reduce_sum3A_75 : vector<1024xf32> to vector<1x1024xf32>
      %swap3A_77 = arith.constant 0 : index
      %swap3A_78 = arith.constant 0 : index
      %swap3A_79 = vector.load %arg8[%swap3A_77, %swap3A_78] : memref<1x1024xf32, #tpu.memory_space<vmem>>, vector<1x1024xf32>
      tpu.vector_store %arg8[%swap3A_77, %swap3A_78], %broadcast_in_dim3A_76 {strides = array<i32>} : memref<1x1024xf32, #tpu.memory_space<vmem>>, vector<1x1024xf32>,
      %transpose3A = tpu.transpose %get3A_9, [1, 0] : vector<256x1024xf32> -> vector<1024x256xf32>
      %swap3A_80 = arith.constant 0 : index
      %swap3A_81 = arith.constant 0 : index
      %swap3A_82 = arith.constant 0 : index
      %swap3A_83 = vector.load %arg6[%swap3A_80, %swap3A_81, %swap3A_82] : memref<1x1024x256xf32, #tpu.memory_space<vmem>>, vector<1x1024x256xf32>
      %swap3A_84 = vector.shape_cast %swap3A_83 : vector<1x1024x256xf32> to vector<1024x256xf32>
      %swap3A_85 = vector.shape_cast %transpose3A : vector<1024x256xf32> to vector<1x1024x256xf32>
      tpu.vector_store %arg6[%swap3A_80, %swap3A_81, %swap3A_82], %swap3A_85 {strides = array<i32>} : memref<1x1024x256xf32, #tpu.memory_space<vmem>>, vector<1x1024x256xf32>,
    } else {
    }
    %mul3A_12 = arith.constant -2.000000e+00 : f32
    %mul3A_13 = vector.broadcast %mul3A_12 : f32 to vector<1024x256xf32>
    %mul3A_14 = arith.mulf %get3A_4, %mul3A_13 : vector<1024x256xf32>
    %dot_general3A = arith.constant dense<0.000000e+00> : vector<1024x1024xf32>
    %dot_general3A_15 = tpu.matmul %mul3A_14, %get3A_9, %dot_general3A {dimension_numbers = #tpu.dot_dimension_numbers<[1], [0], [0], [1], [0, 0, 1, 1], [], []>, transpose_lhs_hint = false} : vector<1024x256xf32>, vector<256x1024xf32>, vector<1024x1024xf32> -> vector<1024x1024xf32>
    %mul3A_16 = arith.mulf %get3A_4, %get3A_4 : vector<1024x256xf32>
    %reduce_sum3A = arith.constant dense<0.000000e+00> : vector<1024xf32>
    %reduce_sum3A_17 = vector.multi_reduction <add>, %mul3A_16, %reduce_sum3A [1] : vector<1024x256xf32> to vector<1024xf32>
    %broadcast_in_dim3A = vector.shape_cast %reduce_sum3A_17 : vector<1024xf32> to vector<1024x1xf32>
    %add3A_18 = vector.broadcast %broadcast_in_dim3A : vector<1024x1xf32> to vector<1024x1024xf32>
    %add3A_19 = arith.addf %add3A_18, %dot_general3A_15 : vector<1024x1024xf32>
    %get3A_20 = arith.constant 0 : index
    %get3A_21 = arith.constant 0 : index
    %get3A_22 = vector.load %arg8[%get3A_20, %get3A_21] : memref<1x1024xf32, #tpu.memory_space<vmem>>, vector<1x1024xf32>
    %add3A_23 = vector.broadcast %get3A_22 : vector<1x1024xf32> to vector<1024x1024xf32>
    %add3A_24 = arith.addf %add3A_19, %add3A_23 : vector<1024x1024xf32>
    %eq3A_25 = arith.constant 0 : i32
    %eq3A_26 = arith.cmpi eq, %add3A, %eq3A_25 : i32
    %convert_element_type3A_27 = arith.extui %eq3A_26 : i1 to i32
    %cond3A_28 = arith.constant 0 : i32
    %cond3A_29 = arith.cmpi ne, %convert_element_type3A_27, %cond3A_28 : i32
    scf.if %cond3A_29 {
      %iota3A = tpu.iota {dimensions = array<i32: 1>} : vector<1024x1024xi32>
      %convert_element_type3A_73 = arith.sitofp %iota3A : vector<1024x1024xi32> to vector<1024x1024xf32>
      %swap3A_74 = arith.constant 0 : index
      %swap3A_75 = arith.constant 0 : index
      %swap3A_76 = vector.load %arg9[%swap3A_74, %swap3A_75] : memref<1024x1024xf32, #tpu.memory_space<vmem>>, vector<1024x1024xf32>
      tpu.vector_store %arg9[%swap3A_74, %swap3A_75], %convert_element_type3A_73 {strides = array<i32>} : memref<1024x1024xf32, #tpu.memory_space<vmem>>, vector<1024x1024xf32>,
    } else {
    }
    %reduce_min3A = arith.constant dense<0x7F800000> : vector<1024xf32>
    %reduce_min3A_30 = vector.multi_reduction <minimumf>, %add3A_24, %reduce_min3A [1] : vector<1024x1024xf32> to vector<1024xf32>
    %broadcast_in_dim3A_31 = vector.shape_cast %reduce_min3A_30 : vector<1024xf32> to vector<1024x1xf32>
    %eq3A_32 = vector.broadcast %broadcast_in_dim3A_31 : vector<1024x1xf32> to vector<1024x1024xf32>
    %eq3A_33 = arith.cmpf oeq, %add3A_24, %eq3A_32 : vector<1024x1024xf32>
    %get3A_34 = arith.constant 0 : index
    %get3A_35 = arith.constant 0 : index
    %get3A_36 = vector.load %arg9[%get3A_34, %get3A_35] : memref<1024x1024xf32, #tpu.memory_space<vmem>>, vector<1024x1024xf32>
    %jit3A = arith.constant 1.024000e+03 : f32
    %broadcast_in_dim3A_37 = vector.broadcast %jit3A : f32 to vector<1024x1024xf32>
    %select_n3A = arith.select %eq3A_33, %get3A_36, %broadcast_in_dim3A_37 : vector<1024x1024xi1>, vector<1024x1024xf32>
    %reduce_min3A_38 = arith.constant dense<0x7F800000> : vector<1024xf32>
    %reduce_min3A_39 = vector.multi_reduction <minimumf>, %select_n3A, %reduce_min3A_38 [1] : vector<1024x1024xf32> to vector<1024xf32>
    %broadcast_in_dim3A_40 = vector.shape_cast %reduce_min3A_39 : vector<1024xf32> to vector<1024x1xf32>
    %convert_element_type3A_41 = arith.fptosi %broadcast_in_dim3A_40 : vector<1024x1xf32> to vector<1024x1xi32>
    %mul3A_42 = arith.constant 1024 : i32
    %mul3A_43 = arith.muli %arg0, %mul3A_42 : i32
    %add3A_44 = vector.broadcast %mul3A_43 : i32 to vector<1024x1xi32>
    %add3A_45 = arith.addi %convert_element_type3A_41, %add3A_44 : vector<1024x1xi32>
    %swap3A = arith.constant 0 : index
    %swap3A_46 = arith.constant 0 : index
    %swap3A_47 = arith.constant 0 : index
    %swap3A_48 = vector.load %arg4[%swap3A, %swap3A_46, %swap3A_47] : memref<1x1024x1xi32, #tpu.memory_space<vmem>>, vector<1x1024x1xi32>
    %swap3A_49 = vector.shape_cast %swap3A_48 : vector<1x1024x1xi32> to vector<1024x1xi32>
    %swap3A_50 = vector.shape_cast %add3A_45 : vector<1024x1xi32> to vector<1x1024x1xi32>
    tpu.vector_store %arg4[%swap3A, %swap3A_46, %swap3A_47], %swap3A_50 {strides = array<i32>} : memref<1x1024x1xi32, #tpu.memory_space<vmem>>, vector<1x1024x1xi32>,
    %reduce_sum3A_51 = vector.shape_cast %broadcast_in_dim3A_31 : vector<1024x1xf32> to vector<1x1024x1xf32>
    %reduce_sum3A_52 = arith.constant dense<0.000000e+00> : vector<1xf32>
    %reduce_sum3A_53 = vector.multi_reduction <add>, %reduce_sum3A_51, %reduce_sum3A_52 [1, 2] : vector<1x1024x1xf32> to vector<1xf32>
    %reduce_sum3A_54 = vector.shape_cast %reduce_sum3A_53 : vector<1xf32> to vector<1x1x1xf32>
    %reduce_sum3A_55 = vector.extract %reduce_sum3A_54[0, 0, 0] : f32 from vector<1x1x1xf32>
    %eq3A_56 = arith.constant 0 : i32
    %eq3A_57 = arith.cmpi eq, %add3A, %eq3A_56 : i32
    %convert_element_type3A_58 = arith.extui %eq3A_57 : i1 to i32
    %cond3A_59 = arith.constant 0 : i32
    %cond3A_60 = arith.cmpi ne, %convert_element_type3A_58, %cond3A_59 : i32
    scf.if %cond3A_60 {
      %swap3A_73 = arith.constant 0.000000e+00 : f32
      %swap3A_74 = arith.constant 0 : index
      %swap3A_75 = arith.constant 0 : index
      %swap3A_76 = memref.load %arg7[%swap3A_74, %swap3A_75] : memref<1x1xf32, #tpu.memory_space<smem>>
      memref.store %swap3A_73, %arg7[%swap3A_74, %swap3A_75] : memref<1x1xf32, #tpu.memory_space<smem>>
    } else {
    }
    %get3A_61 = arith.constant 0 : index
    %get3A_62 = arith.constant 0 : index
    %get3A_63 = memref.load %arg7[%get3A_61, %get3A_62] : memref<1x1xf32, #tpu.memory_space<smem>>
    %add3A_64 = arith.addf %get3A_63, %reduce_sum3A_55 : f32
    %swap3A_65 = arith.constant 0 : index
    %swap3A_66 = arith.constant 0 : index
    %swap3A_67 = memref.load %arg7[%swap3A_65, %swap3A_66] : memref<1x1xf32, #tpu.memory_space<smem>>
    memref.store %add3A_64, %arg7[%swap3A_65, %swap3A_66] : memref<1x1xf32, #tpu.memory_space<smem>>
    %eq3A_68 = arith.constant 31 : i32
    %eq3A_69 = arith.cmpi eq, %add3A, %eq3A_68 : i32
    %convert_element_type3A_70 = arith.extui %eq3A_69 : i1 to i32
    %cond3A_71 = arith.constant 0 : i32
    %cond3A_72 = arith.cmpi ne, %convert_element_type3A_70, %cond3A_71 : i32
    scf.if %cond3A_72 {
      %get3A_73 = arith.constant 0 : index
      %get3A_74 = arith.constant 0 : index
      %get3A_75 = memref.load %arg7[%get3A_73, %get3A_74] : memref<1x1xf32, #tpu.memory_space<smem>>
      %mul3A_76 = arith.constant 1.49011612E-7 : f32
      %mul3A_77 = arith.mulf %get3A_75, %mul3A_76 : f32
      %swap3A_78 = arith.constant 0 : index
      %swap3A_79 = arith.constant 0 : index
      %swap3A_80 = memref.load %arg5[%swap3A_78, %swap3A_79] : memref<1x1xf32, #tpu.memory_space<smem>>
      memref.store %mul3A_77, %arg5[%swap3A_78, %swap3A_79] : memref<1x1xf32, #tpu.memory_space<smem>>
    } else {
    }
    return
  }
  func.func @transform_0(%arg0: i32, %arg1: i32) -> (i32, i32, i32) {
    %c0_i32 = arith.constant 0 : i32
    %c0_i32_0 = arith.constant 0 : i32
    return %arg0, %arg1, %c0_i32 : i32, i32, i32
  }
  func.func @transform_1(%arg0: i32, %arg1: i32) -> (i32, i32, i32) {
    %c0_i32 = arith.constant 0 : i32
    %c0_i32_0 = arith.constant 0 : i32
    %c0_i32_1 = arith.constant 0 : i32
    return %arg0, %c0_i32, %c0_i32_0 : i32, i32, i32
  }
  func.func @transform_2(%arg0: i32, %arg1: i32) -> (i32, i32, i32) {
    %c0_i32 = arith.constant 0 : i32
    %c0_i32_0 = arith.constant 0 : i32
    return %arg0, %arg1, %c0_i32 : i32, i32, i32
  }
  func.func @transform_3(%arg0: i32, %arg1: i32) -> (i32, i32) {
    %c0_i32 = arith.constant 0 : i32
    %c0_i32_0 = arith.constant 0 : i32
    %c0_i32_1 = arith.constant 0 : i32
    return %c0_i32, %c0_i32_0 : i32, i32
  }
  func.func @transform_4(%arg0: i32, %arg1: i32) -> (i32, i32, i32) {
    %c0_i32 = arith.constant 0 : i32
    %c0_i32_0 = arith.constant 0 : i32
    %c0_i32_1 = arith.constant 0 : i32
    return %arg0, %c0_i32, %c0_i32_0 : i32, i32, i32
  }
}

</mosaic_0001>

<sc_bundles>
// kernel: _vq.4.cloned.1.call-start
scs
__scs_entry_jumppad:
0x0: {  	(pc) =	sbr.rel $0x88, $3  }
0x1: {  	(tag) =	ssettag $0x0;
	lr =	simm.s32 $0x1  }
0x2: {  	[smem:$0x3F9F] =	sst lr;
	_ =	strace $0xD0000000  }
0x3: {  	_ = 	snop  }
0x4: {  	_ = 	snop  }
0x5: {  	_ = 	snop  }
0x6: {  	_ = 	snop  }
0x7: {  	_ = 	snop  }
__scs_overlays_trampoline_lowered:
0x8: {  	[smem:$0x3FAE] =	sst s0  }
0x9: {  	[smem:$0x3FAF] =	sst s1  }
0xa: {  	[smem:$0x3FB0] =	sst s2  }
0xb: {  	[smem:$0x3FB1] =	sst s3  }
0xc: {  	[smem:$0x3FB2] =	sst s4  }
0xd: {  	[smem:$0x3FB3] =	sst s5  }
0xe: {  	[smem:$0x3FB4] =	sst s6  }
0xf: {  	[smem:$0x3FB5] =	sst s7  }
0x10: {  	[smem:$0x3FB6] =	sst s8  }
0x11: {  	[smem:$0x3FB7] =	sst s9;
	s0 =	simm.s32 @!p0 $0x0  }
0x12: {  	s1 =	sld [smem:$0x3F9D];
	s0 =	simm.s32 @p0 $0x1  }
0x13: {  	[smem:$0x3FB8] =	sst s0;
	s0 =	simm.s32 @!p1 $0x0  }
0x14: {  	s2 =	sld [smem:$0x3F9C];
	s0 =	simm.s32 @p1 $0x1  }
0x15: {  	[smem:$0x3FB9] =	sst s0;
	s0 =	simm.s32 @!p2 $0x0  }
0x16: {  	s3 =	sld [smem:$0x3FDB];
	s0 =	simm.s32 @p2 $0x1  }
0x17: {  	s4 =	simm.s32 $0x1BF5;
	[smem:$0x3FBB] =	sst s0  }
0x18: {  	s0 =	sld [smem:$0x3F9E];
	_ =	swait.ge [sflag:s4], $0x0  }
0x19: {  	s7 =	sld [smem:$0x3F9F]  }
0x1a: {  	s8 =	sadd.s32 $0xFFFFE003, lr  }
0x1b: {  	s9 =	sadd.s32 $0xFFFFFEF7, lr;
	s5 =	simm.s32 $0xFFFFFFFF;
	p2 =	slt.u32 s8, $0xFFFFF086  }
0x1c: {  	p1 =	slt.u32 s9, $0xF7A;
	s5 =	simm.s32 @!p2 $0x0  }
0x1d: {  	s5 =	simm.s32 @p1 $0x1;
	p0 =	seq.s32 s7, s2  }
0x1e: {  	s7 =	smul.u32 @!p0 $0xF7A, s2;
	p2 =	seq.s32 @!p0 s5, $0x0  }
0x1f: {  	s9 =	smul.u32 $0xF7A, s1;
	s8 =	simm.s32 @!p0 $0x1BF5;
	p2 =	por !p2, p0  }
0x20: {  	[sflag:s8] =	ssyncset.s32 @!p0 $0xFFFFF086;
	s6 =	sadd.s32 @!p0 s3, s7;
	s7 =	simm.s32 @!p0 $0x108  }
0x21: {  	s3 =	sadd.s32 s3, s9;
	s6 =	sadd.s32 @!p0 $0x88, s6;
	s7 =	simm.s32 @p2 $0x1082  }
0x22: {  	[simem:s7], [sflag:s8] =	dma.local @!p0 [hbm:s6], $0xF7A  }
0x23: {  	s9 =	sor.u32 $0xD0000000, s2;
	s6 =	simm.s32 $0x108;
	_ =	swait.ge @!p0 [sflag:s8], $0x0  }
0x24: {  	s3 =	sadd.s32 $0x88, s3;
	s6 =	simm.s32 @!p1 $0x1082;
	[sflag:s4] =	ssyncset.s32 $0xFFFFF086  }
0x25: {  	[simem:s6], [sflag:s4] =	dma.local [hbm:s3], $0xF7A  }
0x26: {  	[smem:$0x3F9F] =	sst s1;
	(tag) =	ssettag s2;
	_ =	strace s9  }
0x27: {  	s1 =	sld [smem:$0x3FAF]  }
0x28: {  	s2 =	sld [smem:$0x3FB0]  }
0x29: {  	s4 =	sld [smem:$0x3FB2]  }
0x2a: {  	p0 =	seq.s32 s5, $0x0;
	s5 =	sld [smem:$0x3FB3]  }
0x2b: {  	s6 =	sld [smem:$0x3FB4]  }
0x2c: {  	s7 =	sld [smem:$0x3FB5]  }
0x2d: {  	s3 =	simm.s32 $0x108;
	s8 =	sld [smem:$0x3FB6]  }
0x2e: {  	s3 =	simm.s32 @!p0 $0x1082;
	s9 =	sld [smem:$0x3FB7]  }
0x2f: {  	lr =	sadd.s32 s0, s3;
	s0 =	sld [smem:$0x3FAE]  }
0x30: {  	s3 =	sld [smem:$0x3FB1]  }
0x31: {  	[smem:$0x3FBA] =	sst s10  }
0x32: {  	s10 =	sld [smem:$0x3FB8];
	_ =	sdelay $0x3  }
0x33: {  	p0 =	seq.s32 s10, $0x1;
	s10 =	sld [smem:$0x3FBA];
	_ =	sdelay $0x3  }
0x34: {  	[smem:$0x3FBA] =	sst s10  }
0x35: {  	s10 =	sld [smem:$0x3FB9];
	_ =	sdelay $0x3  }
0x36: {  	p1 =	seq.s32 s10, $0x1;
	s10 =	sld [smem:$0x3FBA];
	_ =	sdelay $0x3  }
0x37: {  	[smem:$0x3FBA] =	sst s10  }
0x38: {  	s10 =	sld [smem:$0x3FBB]  }
0x39: {  	_ = 	snop;
	(pc) =	sbr.ind lr, $3  }
0x3a: {  	_ = 	snop  }
0x3b: {  	_ = 	snop  }
0x3c: {  	p2 =	seq.s32 s10, $0x1;
	s10 =	sld [smem:$0x3FBA]  }
0x3d: {  	_ =	shalt  }
0x3e: {  	_ =	shalt  }
0x3f: {  	_ =	shalt  }
0x40: {  	_ =	shalt  }
0x41: {  	_ =	shalt  }
0x42: {  	_ =	shalt  }
0x43: {  	_ =	shalt  }
0x44: {  	_ =	shalt  }
0x45: {  	_ =	shalt  }
0x46: {  	_ =	shalt  }
0x47: {  	_ =	shalt  }
0x48: {  	_ =	shalt  }
0x49: {  	_ =	shalt  }
0x4a: {  	_ =	shalt  }
0x4b: {  	_ =	shalt  }
0x4c: {  	_ =	shalt  }
0x4d: {  	_ =	shalt  }
0x4e: {  	_ =	shalt  }
0x4f: {  	_ =	shalt  }
0x50: {  	_ =	shalt  }
0x51: {  	_ =	shalt  }
0x52: {  	_ =	shalt  }
0x53: {  	_ =	shalt  }
0x54: {  	_ =	shalt  }
0x55: {  	_ =	shalt  }
0x56: {  	_ =	shalt  }
0x57: {  	_ =	shalt  }
0x58: {  	_ =	shalt  }
0x59: {  	_ =	shalt  }
0x5a: {  	_ =	shalt  }
0x5b: {  	_ =	shalt  }
0x5c: {  	_ =	shalt  }
0x5d: {  	_ =	shalt  }
0x5e: {  	_ =	shalt  }
0x5f: {  	_ =	shalt  }
0x60: {  	_ =	shalt  }
0x61: {  	_ =	shalt  }
0x62: {  	_ =	shalt  }
0x63: {  	_ =	shalt  }
0x64: {  	_ =	shalt  }
0x65: {  	_ =	shalt  }
0x66: {  	_ =	shalt  }
0x67: {  	_ =	shalt  }
0x68: {  	_ =	shalt  }
0x69: {  	_ =	shalt  }
0x6a: {  	_ =	shalt  }
0x6b: {  	_ =	shalt  }
0x6c: {  	_ =	shalt  }
0x6d: {  	_ =	shalt  }
0x6e: {  	_ =	shalt  }
0x6f: {  	_ =	shalt  }
0x70: {  	_ =	shalt  }
0x71: {  	_ =	shalt  }
0x72: {  	_ =	shalt  }
0x73: {  	_ =	shalt  }
0x74: {  	_ =	shalt  }
0x75: {  	_ =	shalt  }
0x76: {  	_ =	shalt  }
0x77: {  	_ =	shalt  }
0x78: {  	_ =	shalt  }
0x79: {  	_ =	shalt  }
0x7a: {  	_ =	shalt  }
0x7b: {  	_ =	shalt  }
0x7c: {  	_ =	shalt  }
0x7d: {  	_ =	shalt  }
0x7e: {  	_ =	shalt  }
0x7f: {  	_ =	shalt  }
0x80: {  	_ =	shalt  }
0x81: {  	_ =	shalt  }
0x82: {  	_ =	shalt  }
0x83: {  	_ =	shalt  }
0x84: {  	_ =	shalt  }
0x85: {  	_ =	shalt  }
0x86: {  	_ =	shalt  }
0x87: {  	_ =	shalt  }
.Lfunc_end0:
.L_simem_size_0:
called_computation_lowered:
.L_overlay_start_0:
0x88: {  	s2 =	sld [smem:$0x3FD9]  }
0x89: {  	s3 =	sld [smem:$0x3FFE];
	_ =	sdelay $0x1  }
0x8a: {  	s1 =	srdreg.scid  }
0x8b: {  	s0 =	sand.u32 $0x1, s1  }
0x8c: {  	s14 =	sshll.u32 s0, $0xA;
	s2 =	sadd.s32 s3, s2  }
0x8d: {  	s2 =	sadd.s32 s2, s14  }
0x8e: {  	[smem:$0x3FC6] =	sst s2  }
0x8f: {  	_ = 	snop  }
0x90: {  	s2 =	sld [smem:$0x3FD0];
	_ =	sdelay $0x2  }
0x91: {  	s15 =	simm.s32 $0xA;
	s4 =	simm.s32 $0x10  }
0x92: {  	[smem:s4], [sflag:s15] =	dma.local [hbm:s2], $0x1  }
0x93: {  	_ =	swait.eq [sflag:s15], $0x1  }
0x94: {  	[sflag:s15] =	ssyncset.done $0x0  }
0x95: {  	[sflag:s15] =	ssyncadd.s32 $0xFFFFFFFF  }
0x96: {  	s16 =	sld [smem:$0x10];
	(tm) =	ssettm $0x1  }
0x97: {  	s17 =	sld [smem:$0x3FFB];
	_ =	sdelay $0x3  }
0x98: {  	_ =	strace s17  }
0x99: {  	s3 =	sld [smem:$0x3FFC];
	_ =	sdelay $0x3  }
0x9a: {  	_ =	strace s3  }
0x9b: {  	s3 =	sld [smem:$0x3FFD];
	_ =	sdelay $0x3  }
0x9c: {  	_ =	strace s3  }
0x9d: {  	_ =	strace $0x8FFFFFFF  }
0x9e: {  	s18 =	sld [smem:$0x3FDB];
	_ =	sdelay $0x1  }
0x9f: {  	s19 =	simm.s32 $_scs_section_size  }
0xa0: {  	s5 =	simm.s32 $_size__tile_overlayer_lowered;
	s6 =	simm.s32 $_tile_overlayer_lowered  }
0xa1: {  	s22 =	simm.s32 $0x1BFF;
	s21 =	sshll.u32 s6, $0x1;
	s3 =	sadd.s32 s19, s18  }
0xa2: {  	s7 =	simm.s32 $0x0;
	s20 =	sshll.u32 s5, $0x1;
	s5 =	sadd.s32 s21, s3  }
0xa3: {  	[timem:s7], [sflag:s22] =	dma.local [hbm:s5], s20  }
0xa4: {  	_ =	swait.ge [sflag:s22], s20  }
0xa5: {  	s4 =	ssub.s32 $0x0, s20;
	[sflag:s22] =	ssyncset.done $0x0  }
0xa6: {  	[sflag:s22] =	ssyncadd.s32 s4;
	_ =	sdelay $0x1  }
0xa7: {  	s23 =	simm.s32 $0x1B8B  }
0xa8: {  	_ =	swait.ge [sflag:s23], $0x1  }
0xa9: {  	[sflag:s23] =	ssyncset.done $0x0  }
0xaa: {  	s25 =	simm.s32 $0x1B8E;
	s24 =	sld [smem:$0x3FFE];
	[sflag:s23] =	ssyncadd.s32 $0xFFFFFFFF  }
0xab: {  	s26 =	simm.s32 $execute0_lowered;
	[smem:$0x3FD2] =	sst s25  }
0xac: {  	s5 =	sshll.u32 s26, $0x1;
	_ =	strace $0x80000046;
	[dreg:$0x1] =	wrdreg $0xFFFFFFFF  }
0xad: {  	s28 =	simm.s32 $_size_execute0_lowered;
	s3 =	sadd.s32 s3, s5;
	[dreg:$0x0] =	wrdreg $0x0  }
0xae: {  	s5 =	sshll.u32 s28, $0x1;
	[dreg:$0x2] =	wrdreg s3  }
0xaf: {  	[dreg:$0x3] =	wrdreg s5  }
0xb0: {  	[dreg:$0x4] =	wrdreg $0xC0  }
0xb1: {  	_ =	task [dreg:s7], $0x5FFFF  }
0xb2: {  	[dreg:$0x1] =	wrdreg $0xFFFFFFFF  }
0xb3: {  	[dreg:$0x0] =	wrdreg $0x60  }
0xb4: {  	[dreg:$0x2] =	wrdreg s24  }
0xb5: {  	[dreg:$0x3] =	wrdreg s16  }
0xb6: {  	[dreg:$0x4] =	wrdreg $0x9  }
0xb7: {  	_ =	task.clear_ibuf [dreg:s7], $0x5FFFF;
	_ =	strace $0x90000046  }
0xb8: {  	s29 =	simm.s32 $0x9;
	_ =	strace $0x80000048  }
0xb9: {  	_ =	swait.ge [sflag:s29], $0x1  }
0xba: {  	[sflag:s29] =	ssyncadd.s32 $0xFFFFFFFF  }
0xbb: {  	_ =	strace $0x90000048  }
0xbc: {  	_ =	sfence  }
0xbd: {  	s30 =	sld [smem:$0x0];
	_ =	sdelay $0x2  }
0xbe: {  	s31 =	sshll.u32 s1, $0xD;
	s1 =	sshrl.u32 s1, $0x2  }
0xbf: {  	s3 =	sand.u32 $0x4000, s31;
	s1 =	sadd.s32 s1, s30  }
0xc0: {  	s0 =	sor.u32 s3, s0;
	s1 =	sshll.u32 s1, $0x11  }
0xc1: {  	s0 =	sor.u32 s1, s0  }
0xc2: {  	s0 =	sadd.s32 $0x8F2B, s0  }
0xc3: {  	[sflag:s0] =	ssyncadd.remote.s32 $0x1  }
0xc4: {  	_ =	sfence.sel $0xFFFF  }
0xc5: {  	[dreg:$0x0] =	wrdreg $0xFFFFFFFF;
	(pc) =	sbr.abs _section_cstart, $3  }
0xc6: {  	[dreg:$0x1] =	wrdreg $0xFFFFFFFF  }
0xc7: {  	_ =	task.clear_ibuf [dreg:s7], $0x2FFFF;
	_ =	strace $0x9FFFFFFF  }
0xc8: {  	(tm) =	ssettm $0x7FFFFFFF  }
0xc9: {  	_ =	shalt  }
tec
execute0_lowered:
.L_overlay_start_1:
0x0: {  	(tag) =	ssettag $0x1  }
0x1: {  	s0 =	srdreg.scid  }
0x2: {  	s2 =	stileid.u32;
	s0 =	sand.u32 $0x1, s0  }
0x3: {  	s1 =	rddreg [dreg:$0x0];
	s2 =	sshll.u32 s2, $0xB;
	s3 =	sshll.u32 s0, $0xA  }
0x4: {  	s4 =	rddreg [dreg:$0x1];
	s3 =	sor.u32 s3, s2  }
0x5: {  	s2 =	simm.s32 $0x0;
	s5 =	sshrl.u32 s3, $0x3;
	s3 =	sshll.u32 s3, $0x5  }
0x6: {  	[smem:$0x7FF] =	sst s2;
	s5 =	sadd.s32 s5, s1;
	s4 =	sadd.s32 s4, s3  }
0x7: {  	_ =	strace $0x80000047;
	s5 =	sadd.s32 $0x40600, s5;
	[dreg:$0xb] =	wrdreg s4  }
0x8: {  	s3 =	sadd.s32 $0x1000, s4;
	[dreg:$0x3] =	wrdreg s5  }
0x9: {  	s24 =	sadd.s32 $0x2000, s4;
	[dreg:$0x4] =	wrdreg s3  }
0xa: {  	s25 =	sadd.s32 $0x3000, s4;
	[dreg:$0x5] =	wrdreg s24  }
0xb: {  	s23 =	simm.s32 $0x1;
	s26 =	sadd.s32 $0x4000, s4;
	[dreg:$0x6] =	wrdreg s25  }
0xc: {  	s13 =	simm.s32 $0x2;
	s28 =	sadd.s32 $0x5000, s4;
	[dreg:$0x7] =	wrdreg s26  }
0xd: {  	s0 =	ssub.s32 $0x2, s0;
	s29 =	sadd.s32 $0x6000, s4;
	[dreg:$0x8] =	wrdreg s28  }
0xe: {  	v2 =	vlaneseq.u32;
	s30 =	sshrl.u32 s0, $0x1;
	s31 =	sadd.s32 $0x7000, s4;
	[dreg:$0x9] =	wrdreg s29  }
0xf: {  	vm0 =	vmmov $0xffff;
	v1 =	vshrl.u32 v2, $0x3;
	s0 =	ssub.s32 s0, s30;
	s4 =	sadd.s32 $0x600, s1;
	[dreg:$0xa] =	wrdreg s31  }
0x10: {  	v0 =	vand.u32 $0x7, v2;
	v2 =	vor.u32 $0x8, v2;
	v1 =	vmul.u32 $0x8, v1;
	s5 =	smax.u32 s0, $0x1;
	s26 =	simm.s32 $0x400;
	s24 =	simm.s32 $0x8400  }
.LBB2_1:
0x11: {  	s14 =	rddreg [dreg:$0x3];
	s8 =	simm.s32 $0x3  }
0x12: {  	[tilespmem:s2], [sflag:$0x3] =	stream.linear.gather [hbm4b:s14+s2], $0x400, $0x38;
	[tilespmem:$0x10400] =	vst v63  }
0x13: {  	_ =	swait.ge [sflag:s8], $0x400  }
0x14: {  	[sflag:s8] =	ssyncset.done $0x0  }
0x15: {  	[sflag:s8] =	ssyncadd.s32 $0xFFFFFC00  }
0x16: {  	v3 =	vld [tilespmem:$0x0];
	_ =	sdelay $0x4  }
0x17: {  	v4 =	vshll.u32 v3, $0x1  }
0x18: {  	v3 =	vand.u32 $0x7, v3;
	v4 =	vand.u32 $0xFFFFFFF0, v4  }
0x19: {  	v3 =	vor.u32 v3, v4  }
0x1a: {  	v4 =	vperm.xlane v3, v0;
	_ =	sdelay $0x1  }
0x1b: {  	v3 =	vperm.xlane v3, v2;
	v4 =	vadd.s32 v1, v4;
	_ =	sdelay $0x1  }
0x1c: {  	v3 =	vadd.s32 v1, v3;
	_ =	sdelay $0x2  }
0x1d: {  	[tilespmem:s26], [sflag:$0x1] =	stream.indirect_vreg.gather [hbm4b:s4+s2], $0x80, v4, vm0, $0xb8;
	[tilespmem:$0x10400] =	vst v63  }
0x1e: {  	s0 =	simm.s32 $0xC00  }
0x1f: {  	[tilespmem:s0], [sflag:$0x1] =	stream.indirect_vreg.gather [hbm4b:s4+s2], $0x80, v3, vm0, $0xb8;
	[tilespmem:$0x10400] =	vst v63  }
0x20: {  	v3 =	vld [tilespmem:$0x10];
	_ =	sdelay $0x4  }
0x21: {  	v57 =	vshll.u32 v3, $0x1  }
0x22: {  	v3 =	vand.u32 $0x7, v3;
	v4 =	vand.u32 $0xFFFFFFF0, v57  }
0x23: {  	v3 =	vor.u32 v3, v4  }
0x24: {  	v4 =	vperm.xlane v3, v0;
	_ =	sdelay $0x1  }
0x25: {  	v3 =	vperm.xlane v3, v2;
	v4 =	vadd.s32 v1, v4;
	_ =	sdelay $0x1  }
0x26: {  	v3 =	vadd.s32 v1, v3;
	_ =	sdelay $0x1  }
0x27: {  	s9 =	simm.s32 $0x1400  }
0x28: {  	[tilespmem:s9], [sflag:$0x1] =	stream.indirect_vreg.gather [hbm4b:s4+s2], $0x80, v4, vm0, $0xb8;
	[tilespmem:$0x10400] =	vst v63  }
0x29: {  	s10 =	simm.s32 $0x1C00  }
0x2a: {  	[tilespmem:s10], [sflag:$0x1] =	stream.indirect_vreg.gather [hbm4b:s4+s2], $0x80, v3, vm0, $0xb8;
	[tilespmem:$0x10400] =	vst v63  }
0x2b: {  	v3 =	vld [tilespmem:$0x20];
	_ =	sdelay $0x4  }
0x2c: {  	v58 =	vshll.u32 v3, $0x1  }
0x2d: {  	v3 =	vand.u32 $0x7, v3;
	v4 =	vand.u32 $0xFFFFFFF0, v58  }
0x2e: {  	v3 =	vor.u32 v3, v4  }
0x2f: {  	v4 =	vperm.xlane v3, v0;
	_ =	sdelay $0x1  }
0x30: {  	v3 =	vperm.xlane v3, v2;
	v4 =	vadd.s32 v1, v4;
	_ =	sdelay $0x1  }
0x31: {  	v3 =	vadd.s32 v1, v3;
	_ =	sdelay $0x1  }
0x32: {  	s11 =	simm.s32 $0x2400  }
0x33: {  	[tilespmem:s11], [sflag:$0x1] =	stream.indirect_vreg.gather [hbm4b:s4+s2], $0x80, v4, vm0, $0xb8;
	[tilespmem:$0x10400] =	vst v63  }
0x34: {  	s12 =	simm.s32 $0x2C00  }
0x35: {  	[tilespmem:s12], [sflag:$0x1] =	stream.indirect_vreg.gather [hbm4b:s4+s2], $0x80, v3, vm0, $0xb8;
	[tilespmem:$0x10400] =	vst v63  }
0x36: {  	v3 =	vld [tilespmem:$0x30];
	_ =	sdelay $0x4  }
0x37: {  	v59 =	vshll.u32 v3, $0x1  }
0x38: {  	v3 =	vand.u32 $0x7, v3;
	v4 =	vand.u32 $0xFFFFFFF0, v59  }
0x39: {  	v3 =	vor.u32 v3, v4  }
0x3a: {  	v4 =	vperm.xlane v3, v0;
	_ =	sdelay $0x1  }
0x3b: {  	v3 =	vperm.xlane v3, v2;
	v4 =	vadd.s32 v1, v4;
	_ =	sdelay $0x1  }
0x3c: {  	v3 =	vadd.s32 v1, v3;
	_ =	sdelay $0x1  }
0x3d: {  	s14 =	simm.s32 $0x3400  }
0x3e: {  	[tilespmem:s14], [sflag:$0x1] =	stream.indirect_vreg.gather [hbm4b:s4+s2], $0x80, v4, vm0, $0xb8;
	[tilespmem:$0x10400] =	vst v63  }
0x3f: {  	s15 =	simm.s32 $0x3C00  }
0x40: {  	[tilespmem:s15], [sflag:$0x1] =	stream.indirect_vreg.gather [hbm4b:s4+s2], $0x80, v3, vm0, $0xb8;
	[tilespmem:$0x10400] =	vst v63  }
0x41: {  	v3 =	vld [tilespmem:$0x40];
	_ =	sdelay $0x4  }
0x42: {  	v60 =	vshll.u32 v3, $0x1  }
0x43: {  	v3 =	vand.u32 $0x7, v3;
	v4 =	vand.u32 $0xFFFFFFF0, v60  }
0x44: {  	v3 =	vor.u32 v3, v4  }
0x45: {  	v4 =	vperm.xlane v3, v0;
	_ =	sdelay $0x1  }
0x46: {  	v3 =	vperm.xlane v3, v2;
	v4 =	vadd.s32 v1, v4;
	_ =	sdelay $0x1  }
0x47: {  	v3 =	vadd.s32 v1, v3;
	_ =	sdelay $0x1  }
0x48: {  	s16 =	simm.s32 $0x4400  }
0x49: {  	[tilespmem:s16], [sflag:$0x1] =	stream.indirect_vreg.gather [hbm4b:s4+s2], $0x80, v4, vm0, $0xb8;
	[tilespmem:$0x10400] =	vst v63  }
0x4a: {  	s17 =	simm.s32 $0x4C00  }
0x4b: {  	[tilespmem:s17], [sflag:$0x1] =	stream.indirect_vreg.gather [hbm4b:s4+s2], $0x80, v3, vm0, $0xb8;
	[tilespmem:$0x10400] =	vst v63  }
0x4c: {  	v3 =	vld [tilespmem:$0x50];
	_ =	sdelay $0x4  }
0x4d: {  	v61 =	vshll.u32 v3, $0x1  }
0x4e: {  	v3 =	vand.u32 $0x7, v3;
	v4 =	vand.u32 $0xFFFFFFF0, v61  }
0x4f: {  	v3 =	vor.u32 v3, v4  }
0x50: {  	v4 =	vperm.xlane v3, v0;
	_ =	sdelay $0x1  }
0x51: {  	v3 =	vperm.xlane v3, v2;
	v4 =	vadd.s32 v1, v4;
	_ =	sdelay $0x1  }
0x52: {  	v3 =	vadd.s32 v1, v3;
	_ =	sdelay $0x1  }
0x53: {  	s18 =	simm.s32 $0x5400  }
0x54: {  	[tilespmem:s18], [sflag:$0x1] =	stream.indirect_vreg.gather [hbm4b:s4+s2], $0x80, v4, vm0, $0xb8;
	[tilespmem:$0x10400] =	vst v63  }
0x55: {  	s19 =	simm.s32 $0x5C00  }
0x56: {  	[tilespmem:s19], [sflag:$0x1] =	stream.indirect_vreg.gather [hbm4b:s4+s2], $0x80, v3, vm0, $0xb8;
	[tilespmem:$0x10400] =	vst v63  }
0x57: {  	v3 =	vld [tilespmem:$0x60];
	_ =	sdelay $0x4  }
0x58: {  	v62 =	vshll.u32 v3, $0x1  }
0x59: {  	v3 =	vand.u32 $0x7, v3;
	v4 =	vand.u32 $0xFFFFFFF0, v62  }
0x5a: {  	v3 =	vor.u32 v3, v4  }
0x5b: {  	v4 =	vperm.xlane v3, v0;
	_ =	sdelay $0x1  }
0x5c: {  	v3 =	vperm.xlane v3, v2;
	v4 =	vadd.s32 v1, v4;
	_ =	sdelay $0x1  }
0x5d: {  	v3 =	vadd.s32 v1, v3;
	_ =	sdelay $0x1  }
0x5e: {  	s20 =	simm.s32 $0x6400  }
0x5f: {  	[tilespmem:s20], [sflag:$0x1] =	stream.indirect_vreg.gather [hbm4b:s4+s2], $0x80, v4, vm0, $0xb8;
	[tilespmem:$0x10400] =	vst v63  }
0x60: {  	s21 =	simm.s32 $0x6C00  }
0x61: {  	[tilespmem:s21], [sflag:$0x1] =	stream.indirect_vreg.gather [hbm4b:s4+s2], $0x80, v3, vm0, $0xb8;
	[tilespmem:$0x10400] =	vst v63  }
0x62: {  	v3 =	vld [tilespmem:$0x70];
	_ =	sdelay $0x4  }
0x63: {  	v63 =	vshll.u32 v3, $0x1  }
0x64: {  	v3 =	vand.u32 $0x7, v3;
	v4 =	vand.u32 $0xFFFFFFF0, v63  }
0x65: {  	v3 =	vor.u32 v3, v4  }
0x66: {  	v4 =	vperm.xlane v3, v0;
	_ =	sdelay $0x1  }
0x67: {  	v3 =	vperm.xlane v3, v2;
	v4 =	vadd.s32 v1, v4;
	_ =	sdelay $0x1  }
0x68: {  	v3 =	vadd.s32 v1, v3;
	_ =	sdelay $0x1  }
0x69: {  	s22 =	simm.s32 $0x7400  }
0x6a: {  	[tilespmem:s22], [sflag:$0x1] =	stream.indirect_vreg.gather [hbm4b:s4+s2], $0x80, v4, vm0, $0xb8;
	[tilespmem:$0x10400] =	vst v63  }
0x6b: {  	s25 =	simm.s32 $0x7C00  }
0x6c: {  	[tilespmem:s25], [sflag:$0x1] =	stream.indirect_vreg.gather [hbm4b:s4+s2], $0x80, v3, vm0, $0xb8;
	[tilespmem:$0x10400] =	vst v63  }
0x6d: {  	_ =	swait.ge [sflag:s23], $0x8000  }
0x6e: {  	[sflag:s23] =	ssyncset.done $0x0  }
0x6f: {  	s28 =	rddreg [dreg:$0xb];
	[sflag:s23] =	ssyncadd.s32 $0xFFFF8000  }
0x70: {  	[hbm4b:s28+s2] =	stream.linear.scatter [tilespmem:s26], [sflag:$0x2], $0x8000, $0x38;
	[tilespmem:$0x10400] =	vst v63  }
0x71: {  	v3 =	vld [tilespmem:$0x80];
	_ =	sdelay $0x4  }
0x72: {  	v8 =	vshll.u32 v3, $0x1  }
0x73: {  	v3 =	vand.u32 $0x7, v3;
	v4 =	vand.u32 $0xFFFFFFF0, v8  }
0x74: {  	v3 =	vor.u32 v3, v4  }
0x75: {  	v4 =	vperm.xlane v3, v0;
	_ =	sdelay $0x1  }
0x76: {  	v3 =	vperm.xlane v3, v2;
	v4 =	vadd.s32 v1, v4;
	_ =	sdelay $0x1  }
0x77: {  	v3 =	vadd.s32 v1, v3;
	_ =	sdelay $0x2  }
0x78: {  	[tilespmem:s24], [sflag:$0x1] =	stream.indirect_vreg.gather [hbm4b:s4+s2], $0x80, v4, vm0, $0xb8;
	[tilespmem:$0x10400] =	vst v63  }
0x79: {  	s29 =	simm.s32 $0x8C00  }
0x7a: {  	[tilespmem:s29], [sflag:$0x1] =	stream.indirect_vreg.gather [hbm4b:s4+s2], $0x80, v3, vm0, $0xb8;
	[tilespmem:$0x10400] =	vst v63  }
0x7b: {  	v3 =	vld [tilespmem:$0x90];
	_ =	sdelay $0x4  }
0x7c: {  	v9 =	vshll.u32 v3, $0x1  }
0x7d: {  	v3 =	vand.u32 $0x7, v3;
	v4 =	vand.u32 $0xFFFFFFF0, v9  }
0x7e: {  	v3 =	vor.u32 v3, v4  }
0x7f: {  	v4 =	vperm.xlane v3, v0;
	_ =	sdelay $0x1  }
0x80: {  	v3 =	vperm.xlane v3, v2;
	v4 =	vadd.s32 v1, v4;
	_ =	sdelay $0x1  }
0x81: {  	v3 =	vadd.s32 v1, v3;
	_ =	sdelay $0x1  }
0x82: {  	s30 =	simm.s32 $0x9400  }
0x83: {  	[tilespmem:s30], [sflag:$0x1] =	stream.indirect_vreg.gather [hbm4b:s4+s2], $0x80, v4, vm0, $0xb8;
	[tilespmem:$0x10400] =	vst v63  }
0x84: {  	s31 =	simm.s32 $0x9C00  }
0x85: {  	[tilespmem:s31], [sflag:$0x1] =	stream.indirect_vreg.gather [hbm4b:s4+s2], $0x80, v3, vm0, $0xb8;
	[tilespmem:$0x10400] =	vst v63  }
0x86: {  	v3 =	vld [tilespmem:$0xA0];
	_ =	sdelay $0x4  }
0x87: {  	v10 =	vshll.u32 v3, $0x1  }
0x88: {  	v3 =	vand.u32 $0x7, v3;
	v4 =	vand.u32 $0xFFFFFFF0, v10  }
0x89: {  	v3 =	vor.u32 v3, v4  }
0x8a: {  	v4 =	vperm.xlane v3, v0;
	_ =	sdelay $0x1  }
0x8b: {  	v3 =	vperm.xlane v3, v2;
	v4 =	vadd.s32 v1, v4;
	_ =	sdelay $0x1  }
0x8c: {  	v3 =	vadd.s32 v1, v3;
	_ =	sdelay $0x1  }
0x8d: {  	s9 =	simm.s32 $0xA400  }
0x8e: {  	[tilespmem:s9], [sflag:$0x1] =	stream.indirect_vreg.gather [hbm4b:s4+s2], $0x80, v4, vm0, $0xb8;
	[tilespmem:$0x10400] =	vst v63  }
0x8f: {  	s10 =	simm.s32 $0xAC00  }
0x90: {  	[tilespmem:s10], [sflag:$0x1] =	stream.indirect_vreg.gather [hbm4b:s4+s2], $0x80, v3, vm0, $0xb8;
	[tilespmem:$0x10400] =	vst v63  }
0x91: {  	v3 =	vld [tilespmem:$0xB0];
	_ =	sdelay $0x4  }
0x92: {  	v11 =	vshll.u32 v3, $0x1  }
0x93: {  	v3 =	vand.u32 $0x7, v3;
	v4 =	vand.u32 $0xFFFFFFF0, v11  }
0x94: {  	v3 =	vor.u32 v3, v4  }
0x95: {  	v4 =	vperm.xlane v3, v0;
	_ =	sdelay $0x1  }
0x96: {  	v3 =	vperm.xlane v3, v2;
	v4 =	vadd.s32 v1, v4;
	_ =	sdelay $0x1  }
0x97: {  	v3 =	vadd.s32 v1, v3;
	_ =	sdelay $0x1  }
0x98: {  	s11 =	simm.s32 $0xB400  }
0x99: {  	[tilespmem:s11], [sflag:$0x1] =	stream.indirect_vreg.gather [hbm4b:s4+s2], $0x80, v4, vm0, $0xb8;
	[tilespmem:$0x10400] =	vst v63  }
0x9a: {  	s12 =	simm.s32 $0xBC00  }
0x9b: {  	[tilespmem:s12], [sflag:$0x1] =	stream.indirect_vreg.gather [hbm4b:s4+s2], $0x80, v3, vm0, $0xb8;
	[tilespmem:$0x10400] =	vst v63  }
0x9c: {  	v3 =	vld [tilespmem:$0xC0];
	_ =	sdelay $0x4  }
0x9d: {  	v12 =	vshll.u32 v3, $0x1  }
0x9e: {  	v3 =	vand.u32 $0x7, v3;
	v4 =	vand.u32 $0xFFFFFFF0, v12  }
0x9f: {  	v3 =	vor.u32 v3, v4  }
0xa0: {  	v4 =	vperm.xlane v3, v0;
	_ =	sdelay $0x1  }
0xa1: {  	v3 =	vperm.xlane v3, v2;
	v4 =	vadd.s32 v1, v4;
	_ =	sdelay $0x1  }
0xa2: {  	v3 =	vadd.s32 v1, v3;
	_ =	sdelay $0x1  }
0xa3: {  	s14 =	simm.s32 $0xC400  }
0xa4: {  	[tilespmem:s14], [sflag:$0x1] =	stream.indirect_vreg.gather [hbm4b:s4+s2], $0x80, v4, vm0, $0xb8;
	[tilespmem:$0x10400] =	vst v63  }
0xa5: {  	s15 =	simm.s32 $0xCC00  }
0xa6: {  	[tilespmem:s15], [sflag:$0x1] =	stream.indirect_vreg.gather [hbm4b:s4+s2], $0x80, v3, vm0, $0xb8;
	[tilespmem:$0x10400] =	vst v63  }
0xa7: {  	v3 =	vld [tilespmem:$0xD0];
	_ =	sdelay $0x4  }
0xa8: {  	v13 =	vshll.u32 v3, $0x1  }
0xa9: {  	v3 =	vand.u32 $0x7, v3;
	v4 =	vand.u32 $0xFFFFFFF0, v13  }
0xaa: {  	v3 =	vor.u32 v3, v4  }
0xab: {  	v4 =	vperm.xlane v3, v0;
	_ =	sdelay $0x1  }
0xac: {  	v3 =	vperm.xlane v3, v2;
	v4 =	vadd.s32 v1, v4;
	_ =	sdelay $0x1  }
0xad: {  	v3 =	vadd.s32 v1, v3;
	_ =	sdelay $0x1  }
0xae: {  	s17 =	simm.s32 $0xD400  }
0xaf: {  	[tilespmem:s17], [sflag:$0x1] =	stream.indirect_vreg.gather [hbm4b:s4+s2], $0x80, v4, vm0, $0xb8;
	[tilespmem:$0x10400] =	vst v63  }
0xb0: {  	s18 =	simm.s32 $0xDC00  }
0xb1: {  	[tilespmem:s18], [sflag:$0x1] =	stream.indirect_vreg.gather [hbm4b:s4+s2], $0x80, v3, vm0, $0xb8;
	[tilespmem:$0x10400] =	vst v63  }
0xb2: {  	v3 =	vld [tilespmem:$0xE0];
	_ =	sdelay $0x4  }
0xb3: {  	v14 =	vshll.u32 v3, $0x1  }
0xb4: {  	v3 =	vand.u32 $0x7, v3;
	v4 =	vand.u32 $0xFFFFFFF0, v14  }
0xb5: {  	v3 =	vor.u32 v3, v4  }
0xb6: {  	v4 =	vperm.xlane v3, v0;
	_ =	sdelay $0x1  }
0xb7: {  	v3 =	vperm.xlane v3, v2;
	v4 =	vadd.s32 v1, v4;
	_ =	sdelay $0x1  }
0xb8: {  	v3 =	vadd.s32 v1, v3;
	_ =	sdelay $0x1  }
0xb9: {  	s19 =	simm.s32 $0xE400  }
0xba: {  	[tilespmem:s19], [sflag:$0x1] =	stream.indirect_vreg.gather [hbm4b:s4+s2], $0x80, v4, vm0, $0xb8;
	[tilespmem:$0x10400] =	vst v63  }
0xbb: {  	s20 =	simm.s32 $0xEC00  }
0xbc: {  	[tilespmem:s20], [sflag:$0x1] =	stream.indirect_vreg.gather [hbm4b:s4+s2], $0x80, v3, vm0, $0xb8;
	[tilespmem:$0x10400] =	vst v63  }
0xbd: {  	v3 =	vld [tilespmem:$0xF0];
	_ =	sdelay $0x4  }
0xbe: {  	v15 =	vshll.u32 v3, $0x1  }
0xbf: {  	v3 =	vand.u32 $0x7, v3;
	v4 =	vand.u32 $0xFFFFFFF0, v15  }
0xc0: {  	v3 =	vor.u32 v3, v4  }
0xc1: {  	v4 =	vperm.xlane v3, v0;
	_ =	sdelay $0x1  }
0xc2: {  	v3 =	vperm.xlane v3, v2;
	v4 =	vadd.s32 v1, v4;
	_ =	sdelay $0x1  }
0xc3: {  	v3 =	vadd.s32 v1, v3;
	_ =	sdelay $0x1  }
0xc4: {  	s21 =	simm.s32 $0xF400  }
0xc5: {  	[tilespmem:s21], [sflag:$0x1] =	stream.indirect_vreg.gather [hbm4b:s4+s2], $0x80, v4, vm0, $0xb8;
	[tilespmem:$0x10400] =	vst v63  }
0xc6: {  	s28 =	simm.s32 $0xFC00  }
0xc7: {  	[tilespmem:s28], [sflag:$0x1] =	stream.indirect_vreg.gather [hbm4b:s4+s2], $0x80, v3, vm0, $0xb8;
	[tilespmem:$0x10400] =	vst v63  }
0xc8: {  	_ =	swait.ge [sflag:s23], $0x8000  }
0xc9: {  	[sflag:s23] =	ssyncset.done $0x0  }
0xca: {  	s0 =	rddreg [dreg:$0x4];
	[sflag:s23] =	ssyncadd.s32 $0xFFFF8000  }
0xcb: {  	[hbm4b:s0+s2] =	stream.linear.scatter [tilespmem:s24], [sflag:$0x2], $0x8000, $0x38;
	[tilespmem:$0x10400] =	vst v63  }
0xcc: {  	_ =	swait.ge [sflag:s13], $0x8000  }
0xcd: {  	[sflag:s13] =	ssyncset.done $0x0  }
0xce: {  	[sflag:s13] =	ssyncadd.s32 $0xFFFF8000  }
0xcf: {  	v3 =	vld [tilespmem:$0x100];
	_ =	sdelay $0x4  }
0xd0: {  	v16 =	vshll.u32 v3, $0x1  }
0xd1: {  	v3 =	vand.u32 $0x7, v3;
	v4 =	vand.u32 $0xFFFFFFF0, v16  }
0xd2: {  	v3 =	vor.u32 v3, v4  }
0xd3: {  	v4 =	vperm.xlane v3, v0;
	_ =	sdelay $0x1  }
0xd4: {  	v3 =	vperm.xlane v3, v2;
	v4 =	vadd.s32 v1, v4;
	_ =	sdelay $0x1  }
0xd5: {  	v3 =	vadd.s32 v1, v3;
	_ =	sdelay $0x2  }
0xd6: {  	[tilespmem:s26], [sflag:$0x1] =	stream.indirect_vreg.gather [hbm4b:s4+s2], $0x80, v4, vm0, $0xb8;
	[tilespmem:$0x10400] =	vst v63  }
0xd7: {  	s7 =	simm.s32 $0xC00  }
0xd8: {  	[tilespmem:s7], [sflag:$0x1] =	stream.indirect_vreg.gather [hbm4b:s4+s2], $0x80, v3, vm0, $0xb8;
	[tilespmem:$0x10400] =	vst v63  }
0xd9: {  	v3 =	vld [tilespmem:$0x110];
	_ =	sdelay $0x4  }
0xda: {  	v17 =	vshll.u32 v3, $0x1  }
0xdb: {  	v3 =	vand.u32 $0x7, v3;
	v4 =	vand.u32 $0xFFFFFFF0, v17  }
0xdc: {  	v3 =	vor.u32 v3, v4  }
0xdd: {  	v4 =	vperm.xlane v3, v0;
	_ =	sdelay $0x1  }
0xde: {  	v3 =	vperm.xlane v3, v2;
	v4 =	vadd.s32 v1, v4;
	_ =	sdelay $0x1  }
0xdf: {  	v3 =	vadd.s32 v1, v3;
	_ =	sdelay $0x1  }
0xe0: {  	s1 =	simm.s32 $0x1400  }
0xe1: {  	[tilespmem:s1], [sflag:$0x1] =	stream.indirect_vreg.gather [hbm4b:s4+s2], $0x80, v4, vm0, $0xb8;
	[tilespmem:$0x10400] =	vst v63  }
0xe2: {  	s19 =	simm.s32 $0x1C00  }
0xe3: {  	[tilespmem:s19], [sflag:$0x1] =	stream.indirect_vreg.gather [hbm4b:s4+s2], $0x80, v3, vm0, $0xb8;
	[tilespmem:$0x10400] =	vst v63  }
0xe4: {  	v3 =	vld [tilespmem:$0x120];
	_ =	sdelay $0x4  }
0xe5: {  	v18 =	vshll.u32 v3, $0x1  }
0xe6: {  	v3 =	vand.u32 $0x7, v3;
	v4 =	vand.u32 $0xFFFFFFF0, v18  }
0xe7: {  	v3 =	vor.u32 v3, v4  }
0xe8: {  	v4 =	vperm.xlane v3, v0;
	_ =	sdelay $0x1  }
0xe9: {  	v3 =	vperm.xlane v3, v2;
	v4 =	vadd.s32 v1, v4;
	_ =	sdelay $0x1  }
0xea: {  	v3 =	vadd.s32 v1, v3;
	_ =	sdelay $0x1  }
0xeb: {  	s3 =	simm.s32 $0x2400  }
0xec: {  	[tilespmem:s3], [sflag:$0x1] =	stream.indirect_vreg.gather [hbm4b:s4+s2], $0x80, v4, vm0, $0xb8;
	[tilespmem:$0x10400] =	vst v63  }
0xed: {  	s6 =	simm.s32 $0x2C00  }
0xee: {  	[tilespmem:s6], [sflag:$0x1] =	stream.indirect_vreg.gather [hbm4b:s4+s2], $0x80, v3, vm0, $0xb8;
	[tilespmem:$0x10400] =	vst v63  }
0xef: {  	v3 =	vld [tilespmem:$0x130];
	_ =	sdelay $0x4  }
0xf0: {  	v19 =	vshll.u32 v3, $0x1  }
0xf1: {  	v3 =	vand.u32 $0x7, v3;
	v4 =	vand.u32 $0xFFFFFFF0, v19  }
0xf2: {  	v3 =	vor.u32 v3, v4  }
0xf3: {  	v4 =	vperm.xlane v3, v0;
	_ =	sdelay $0x1  }
0xf4: {  	v3 =	vperm.xlane v3, v2;
	v4 =	vadd.s32 v1, v4;
	_ =	sdelay $0x1  }
0xf5: {  	v3 =	vadd.s32 v1, v3;
	_ =	sdelay $0x1  }
0xf6: {  	s6 =	simm.s32 $0x3400  }
0xf7: {  	[tilespmem:s6], [sflag:$0x1] =	stream.indirect_vreg.gather [hbm4b:s4+s2], $0x80, v4, vm0, $0xb8;
	[tilespmem:$0x10400] =	vst v63  }
0xf8: {  	s9 =	simm.s32 $0x3C00  }
0xf9: {  	[tilespmem:s9], [sflag:$0x1] =	stream.indirect_vreg.gather [hbm4b:s4+s2], $0x80, v3, vm0, $0xb8;
	[tilespmem:$0x10400] =	vst v63  }
0xfa: {  	v3 =	vld [tilespmem:$0x140];
	_ =	sdelay $0x4  }
0xfb: {  	v20 =	vshll.u32 v3, $0x1  }
0xfc: {  	v3 =	vand.u32 $0x7, v3;
	v4 =	vand.u32 $0xFFFFFFF0, v20  }
0xfd: {  	v3 =	vor.u32 v3, v4  }
0xfe: {  	v4 =	vperm.xlane v3, v0;
	_ =	sdelay $0x1  }
0xff: {  	v3 =	vperm.xlane v3, v2;
	v4 =	vadd.s32 v1, v4;
	_ =	sdelay $0x1  }
0x100: {  	v3 =	vadd.s32 v1, v3;
	_ =	sdelay $0x1  }
0x101: {  	s8 =	simm.s32 $0x4400  }
0x102: {  	[tilespmem:s8], [sflag:$0x1] =	stream.indirect_vreg.gather [hbm4b:s4+s2], $0x80, v4, vm0, $0xb8;
	[tilespmem:$0x10400] =	vst v63  }
0x103: {  	s20 =	simm.s32 $0x4C00  }
0x104: {  	[tilespmem:s20], [sflag:$0x1] =	stream.indirect_vreg.gather [hbm4b:s4+s2], $0x80, v3, vm0, $0xb8;
	[tilespmem:$0x10400] =	vst v63  }
0x105: {  	v3 =	vld [tilespmem:$0x150];
	_ =	sdelay $0x4  }
0x106: {  	v21 =	vshll.u32 v3, $0x1  }
0x107: {  	v3 =	vand.u32 $0x7, v3;
	v4 =	vand.u32 $0xFFFFFFF0, v21  }
0x108: {  	v3 =	vor.u32 v3, v4  }
0x109: {  	v4 =	vperm.xlane v3, v0;
	_ =	sdelay $0x1  }
0x10a: {  	v3 =	vperm.xlane v3, v2;
	v4 =	vadd.s32 v1, v4;
	_ =	sdelay $0x1  }
0x10b: {  	v3 =	vadd.s32 v1, v3;
	_ =	sdelay $0x1  }
0x10c: {  	s10 =	simm.s32 $0x5400  }
0x10d: {  	[tilespmem:s10], [sflag:$0x1] =	stream.indirect_vreg.gather [hbm4b:s4+s2], $0x80, v4, vm0, $0xb8;
	[tilespmem:$0x10400] =	vst v63  }
0x10e: {  	s11 =	simm.s32 $0x5C00  }
0x10f: {  	[tilespmem:s11], [sflag:$0x1] =	stream.indirect_vreg.gather [hbm4b:s4+s2], $0x80, v3, vm0, $0xb8;
	[tilespmem:$0x10400] =	vst v63  }
0x110: {  	v3 =	vld [tilespmem:$0x160];
	_ =	sdelay $0x4  }
0x111: {  	v22 =	vshll.u32 v3, $0x1  }
0x112: {  	v3 =	vand.u32 $0x7, v3;
	v4 =	vand.u32 $0xFFFFFFF0, v22  }
0x113: {  	v3 =	vor.u32 v3, v4  }
0x114: {  	v4 =	vperm.xlane v3, v0;
	_ =	sdelay $0x1  }
0x115: {  	v3 =	vperm.xlane v3, v2;
	v4 =	vadd.s32 v1, v4;
	_ =	sdelay $0x1  }
0x116: {  	v3 =	vadd.s32 v1, v3;
	_ =	sdelay $0x1  }
0x117: {  	s12 =	simm.s32 $0x6400  }
0x118: {  	[tilespmem:s12], [sflag:$0x1] =	stream.indirect_vreg.gather [hbm4b:s4+s2], $0x80, v4, vm0, $0xb8;
	[tilespmem:$0x10400] =	vst v63  }
0x119: {  	s15 =	simm.s32 $0x6C00  }
0x11a: {  	[tilespmem:s15], [sflag:$0x1] =	stream.indirect_vreg.gather [hbm4b:s4+s2], $0x80, v3, vm0, $0xb8;
	[tilespmem:$0x10400] =	vst v63  }
0x11b: {  	v3 =	vld [tilespmem:$0x170];
	_ =	sdelay $0x4  }
0x11c: {  	v23 =	vshll.u32 v3, $0x1  }
0x11d: {  	v3 =	vand.u32 $0x7, v3;
	v4 =	vand.u32 $0xFFFFFFF0, v23  }
0x11e: {  	v3 =	vor.u32 v3, v4  }
0x11f: {  	v4 =	vperm.xlane v3, v0;
	_ =	sdelay $0x1  }
0x120: {  	v3 =	vperm.xlane v3, v2;
	v4 =	vadd.s32 v1, v4;
	_ =	sdelay $0x1  }
0x121: {  	v3 =	vadd.s32 v1, v3;
	_ =	sdelay $0x1  }
0x122: {  	s17 =	simm.s32 $0x7400  }
0x123: {  	[tilespmem:s17], [sflag:$0x1] =	stream.indirect_vreg.gather [hbm4b:s4+s2], $0x80, v4, vm0, $0xb8;
	[tilespmem:$0x10400] =	vst v63  }
0x124: {  	s8 =	simm.s32 $0x7C00  }
0x125: {  	[tilespmem:s8], [sflag:$0x1] =	stream.indirect_vreg.gather [hbm4b:s4+s2], $0x80, v3, vm0, $0xb8;
	[tilespmem:$0x10400] =	vst v63  }
0x126: {  	_ =	swait.ge [sflag:s23], $0x8000  }
0x127: {  	[sflag:s23] =	ssyncset.done $0x0  }
0x128: {  	s7 =	rddreg [dreg:$0x5];
	[sflag:s23] =	ssyncadd.s32 $0xFFFF8000  }
0x129: {  	[hbm4b:s7+s2] =	stream.linear.scatter [tilespmem:s26], [sflag:$0x2], $0x8000, $0x38;
	[tilespmem:$0x10400] =	vst v63  }
0x12a: {  	_ =	swait.ge [sflag:s13], $0x8000  }
0x12b: {  	[sflag:s13] =	ssyncset.done $0x0  }
0x12c: {  	[sflag:s13] =	ssyncadd.s32 $0xFFFF8000  }
0x12d: {  	v3 =	vld [tilespmem:$0x180];
	_ =	sdelay $0x4  }
0x12e: {  	v24 =	vshll.u32 v3, $0x1  }
0x12f: {  	v3 =	vand.u32 $0x7, v3;
	v4 =	vand.u32 $0xFFFFFFF0, v24  }
0x130: {  	v3 =	vor.u32 v3, v4  }
0x131: {  	v4 =	vperm.xlane v3, v0;
	_ =	sdelay $0x1  }
0x132: {  	v3 =	vperm.xlane v3, v2;
	v4 =	vadd.s32 v1, v4;
	_ =	sdelay $0x1  }
0x133: {  	v3 =	vadd.s32 v1, v3;
	_ =	sdelay $0x2  }
0x134: {  	[tilespmem:s24], [sflag:$0x1] =	stream.indirect_vreg.gather [hbm4b:s4+s2], $0x80, v4, vm0, $0xb8;
	[tilespmem:$0x10400] =	vst v63  }
0x135: {  	s1 =	simm.s32 $0x8C00  }
0x136: {  	[tilespmem:s1], [sflag:$0x1] =	stream.indirect_vreg.gather [hbm4b:s4+s2], $0x80, v3, vm0, $0xb8;
	[tilespmem:$0x10400] =	vst v63  }
0x137: {  	v3 =	vld [tilespmem:$0x190];
	_ =	sdelay $0x4  }
0x138: {  	v25 =	vshll.u32 v3, $0x1  }
0x139: {  	v3 =	vand.u32 $0x7, v3;
	v4 =	vand.u32 $0xFFFFFFF0, v25  }
0x13a: {  	v3 =	vor.u32 v3, v4  }
0x13b: {  	v4 =	vperm.xlane v3, v0;
	_ =	sdelay $0x1  }
0x13c: {  	v3 =	vperm.xlane v3, v2;
	v4 =	vadd.s32 v1, v4;
	_ =	sdelay $0x1  }
0x13d: {  	v3 =	vadd.s32 v1, v3;
	_ =	sdelay $0x1  }
0x13e: {  	s0 =	simm.s32 $0x9400  }
0x13f: {  	[tilespmem:s0], [sflag:$0x1] =	stream.indirect_vreg.gather [hbm4b:s4+s2], $0x80, v4, vm0, $0xb8;
	[tilespmem:$0x10400] =	vst v63  }
0x140: {  	s3 =	simm.s32 $0x9C00  }
0x141: {  	[tilespmem:s3], [sflag:$0x1] =	stream.indirect_vreg.gather [hbm4b:s4+s2], $0x80, v3, vm0, $0xb8;
	[tilespmem:$0x10400] =	vst v63  }
0x142: {  	v3 =	vld [tilespmem:$0x1A0];
	_ =	sdelay $0x4  }
0x143: {  	v26 =	vshll.u32 v3, $0x1  }
0x144: {  	v3 =	vand.u32 $0x7, v3;
	v4 =	vand.u32 $0xFFFFFFF0, v26  }
0x145: {  	v3 =	vor.u32 v3, v4  }
0x146: {  	v4 =	vperm.xlane v3, v0;
	_ =	sdelay $0x1  }
0x147: {  	v3 =	vperm.xlane v3, v2;
	v4 =	vadd.s32 v1, v4;
	_ =	sdelay $0x1  }
0x148: {  	v3 =	vadd.s32 v1, v3;
	_ =	sdelay $0x1  }
0x149: {  	s16 =	simm.s32 $0xA400  }
0x14a: {  	[tilespmem:s16], [sflag:$0x1] =	stream.indirect_vreg.gather [hbm4b:s4+s2], $0x80, v4, vm0, $0xb8;
	[tilespmem:$0x10400] =	vst v63  }
0x14b: {  	s16 =	simm.s32 $0xAC00  }
0x14c: {  	[tilespmem:s16], [sflag:$0x1] =	stream.indirect_vreg.gather [hbm4b:s4+s2], $0x80, v3, vm0, $0xb8;
	[tilespmem:$0x10400] =	vst v63  }
0x14d: {  	v3 =	vld [tilespmem:$0x1B0];
	_ =	sdelay $0x4  }
0x14e: {  	v27 =	vshll.u32 v3, $0x1  }
0x14f: {  	v3 =	vand.u32 $0x7, v3;
	v4 =	vand.u32 $0xFFFFFFF0, v27  }
0x150: {  	v3 =	vor.u32 v3, v4  }
0x151: {  	v4 =	vperm.xlane v3, v0;
	_ =	sdelay $0x1  }
0x152: {  	v3 =	vperm.xlane v3, v2;
	v4 =	vadd.s32 v1, v4;
	_ =	sdelay $0x1  }
0x153: {  	v3 =	vadd.s32 v1, v3;
	_ =	sdelay $0x1  }
0x154: {  	s29 =	simm.s32 $0xB400  }
0x155: {  	[tilespmem:s29], [sflag:$0x1] =	stream.indirect_vreg.gather [hbm4b:s4+s2], $0x80, v4, vm0, $0xb8;
	[tilespmem:$0x10400] =	vst v63  }
0x156: {  	s7 =	simm.s32 $0xBC00  }
0x157: {  	[tilespmem:s7], [sflag:$0x1] =	stream.indirect_vreg.gather [hbm4b:s4+s2], $0x80, v3, vm0, $0xb8;
	[tilespmem:$0x10400] =	vst v63  }
0x158: {  	v3 =	vld [tilespmem:$0x1C0];
	_ =	sdelay $0x4  }
0x159: {  	v28 =	vshll.u32 v3, $0x1  }
0x15a: {  	v3 =	vand.u32 $0x7, v3;
	v4 =	vand.u32 $0xFFFFFFF0, v28  }
0x15b: {  	v3 =	vor.u32 v3, v4  }
0x15c: {  	v4 =	vperm.xlane v3, v0;
	_ =	sdelay $0x1  }
0x15d: {  	v3 =	vperm.xlane v3, v2;
	v4 =	vadd.s32 v1, v4;
	_ =	sdelay $0x1  }
0x15e: {  	v3 =	vadd.s32 v1, v3;
	_ =	sdelay $0x1  }
0x15f: {  	s31 =	simm.s32 $0xC400  }
0x160: {  	[tilespmem:s31], [sflag:$0x1] =	stream.indirect_vreg.gather [hbm4b:s4+s2], $0x80, v4, vm0, $0xb8;
	[tilespmem:$0x10400] =	vst v63  }
0x161: {  	s22 =	simm.s32 $0xCC00  }
0x162: {  	[tilespmem:s22], [sflag:$0x1] =	stream.indirect_vreg.gather [hbm4b:s4+s2], $0x80, v3, vm0, $0xb8;
	[tilespmem:$0x10400] =	vst v63  }
0x163: {  	v3 =	vld [tilespmem:$0x1D0];
	_ =	sdelay $0x4  }
0x164: {  	v29 =	vshll.u32 v3, $0x1  }
0x165: {  	v3 =	vand.u32 $0x7, v3;
	v4 =	vand.u32 $0xFFFFFFF0, v29  }
0x166: {  	v3 =	vor.u32 v3, v4  }
0x167: {  	v4 =	vperm.xlane v3, v0;
	_ =	sdelay $0x1  }
0x168: {  	v3 =	vperm.xlane v3, v2;
	v4 =	vadd.s32 v1, v4;
	_ =	sdelay $0x1  }
0x169: {  	v3 =	vadd.s32 v1, v3;
	_ =	sdelay $0x1  }
0x16a: {  	s30 =	simm.s32 $0xD400  }
0x16b: {  	[tilespmem:s30], [sflag:$0x1] =	stream.indirect_vreg.gather [hbm4b:s4+s2], $0x80, v4, vm0, $0xb8;
	[tilespmem:$0x10400] =	vst v63  }
0x16c: {  	s25 =	simm.s32 $0xDC00  }
0x16d: {  	[tilespmem:s25], [sflag:$0x1] =	stream.indirect_vreg.gather [hbm4b:s4+s2], $0x80, v3, vm0, $0xb8;
	[tilespmem:$0x10400] =	vst v63  }
0x16e: {  	v3 =	vld [tilespmem:$0x1E0];
	_ =	sdelay $0x4  }
0x16f: {  	v30 =	vshll.u32 v3, $0x1  }
0x170: {  	v3 =	vand.u32 $0x7, v3;
	v4 =	vand.u32 $0xFFFFFFF0, v30  }
0x171: {  	v3 =	vor.u32 v3, v4  }
0x172: {  	v4 =	vperm.xlane v3, v0;
	_ =	sdelay $0x1  }
0x173: {  	v3 =	vperm.xlane v3, v2;
	v4 =	vadd.s32 v1, v4;
	_ =	sdelay $0x1  }
0x174: {  	v3 =	vadd.s32 v1, v3;
	_ =	sdelay $0x1  }
0x175: {  	s25 =	simm.s32 $0xE400  }
0x176: {  	[tilespmem:s25], [sflag:$0x1] =	stream.indirect_vreg.gather [hbm4b:s4+s2], $0x80, v4, vm0, $0xb8;
	[tilespmem:$0x10400] =	vst v63  }
0x177: {  	s18 =	simm.s32 $0xEC00  }
0x178: {  	[tilespmem:s18], [sflag:$0x1] =	stream.indirect_vreg.gather [hbm4b:s4+s2], $0x80, v3, vm0, $0xb8;
	[tilespmem:$0x10400] =	vst v63  }
0x179: {  	v3 =	vld [tilespmem:$0x1F0];
	_ =	sdelay $0x4  }
0x17a: {  	v31 =	vshll.u32 v3, $0x1  }
0x17b: {  	v3 =	vand.u32 $0x7, v3;
	v4 =	vand.u32 $0xFFFFFFF0, v31  }
0x17c: {  	v3 =	vor.u32 v3, v4  }
0x17d: {  	v4 =	vperm.xlane v3, v0;
	_ =	sdelay $0x1  }
0x17e: {  	v3 =	vperm.xlane v3, v2;
	v4 =	vadd.s32 v1, v4;
	_ =	sdelay $0x1  }
0x17f: {  	v3 =	vadd.s32 v1, v3;
	_ =	sdelay $0x1  }
0x180: {  	s25 =	simm.s32 $0xF400  }
0x181: {  	[tilespmem:s25], [sflag:$0x1] =	stream.indirect_vreg.gather [hbm4b:s4+s2], $0x80, v4, vm0, $0xb8;
	[tilespmem:$0x10400] =	vst v63  }
0x182: {  	s21 =	simm.s32 $0xFC00  }
0x183: {  	[tilespmem:s21], [sflag:$0x1] =	stream.indirect_vreg.gather [hbm4b:s4+s2], $0x80, v3, vm0, $0xb8;
	[tilespmem:$0x10400] =	vst v63  }
0x184: {  	_ =	swait.ge [sflag:s23], $0x8000  }
0x185: {  	[sflag:s23] =	ssyncset.done $0x0  }
0x186: {  	s18 =	rddreg [dreg:$0x6];
	[sflag:s23] =	ssyncadd.s32 $0xFFFF8000  }
0x187: {  	[hbm4b:s18+s2] =	stream.linear.scatter [tilespmem:s24], [sflag:$0x2], $0x8000, $0x38;
	[tilespmem:$0x10400] =	vst v63  }
0x188: {  	_ =	swait.ge [sflag:s13], $0x8000  }
0x189: {  	[sflag:s13] =	ssyncset.done $0x0  }
0x18a: {  	[sflag:s13] =	ssyncadd.s32 $0xFFFF8000  }
0x18b: {  	v3 =	vld [tilespmem:$0x200];
	_ =	sdelay $0x4  }
0x18c: {  	v32 =	vshll.u32 v3, $0x1  }
0x18d: {  	v3 =	vand.u32 $0x7, v3;
	v4 =	vand.u32 $0xFFFFFFF0, v32  }
0x18e: {  	v3 =	vor.u32 v3, v4  }
0x18f: {  	v4 =	vperm.xlane v3, v0;
	_ =	sdelay $0x1  }
0x190: {  	v3 =	vperm.xlane v3, v2;
	v4 =	vadd.s32 v1, v4;
	_ =	sdelay $0x1  }
0x191: {  	v3 =	vadd.s32 v1, v3;
	_ =	sdelay $0x2  }
0x192: {  	[tilespmem:s26], [sflag:$0x1] =	stream.indirect_vreg.gather [hbm4b:s4+s2], $0x80, v4, vm0, $0xb8;
	[tilespmem:$0x10400] =	vst v63  }
0x193: {  	s21 =	simm.s32 $0xC00  }
0x194: {  	[tilespmem:s21], [sflag:$0x1] =	stream.indirect_vreg.gather [hbm4b:s4+s2], $0x80, v3, vm0, $0xb8;
	[tilespmem:$0x10400] =	vst v63  }
0x195: {  	v3 =	vld [tilespmem:$0x210];
	_ =	sdelay $0x4  }
0x196: {  	v33 =	vshll.u32 v3, $0x1  }
0x197: {  	v3 =	vand.u32 $0x7, v3;
	v4 =	vand.u32 $0xFFFFFFF0, v33  }
0x198: {  	v3 =	vor.u32 v3, v4  }
0x199: {  	v4 =	vperm.xlane v3, v0;
	_ =	sdelay $0x1  }
0x19a: {  	v3 =	vperm.xlane v3, v2;
	v4 =	vadd.s32 v1, v4;
	_ =	sdelay $0x1  }
0x19b: {  	v3 =	vadd.s32 v1, v3;
	_ =	sdelay $0x1  }
0x19c: {  	s18 =	simm.s32 $0x1400  }
0x19d: {  	[tilespmem:s18], [sflag:$0x1] =	stream.indirect_vreg.gather [hbm4b:s4+s2], $0x80, v4, vm0, $0xb8;
	[tilespmem:$0x10400] =	vst v63  }
0x19e: {  	_ = 	snop  }
0x19f: {  	[tilespmem:s19], [sflag:$0x1] =	stream.indirect_vreg.gather [hbm4b:s4+s2], $0x80, v3, vm0, $0xb8;
	[tilespmem:$0x10400] =	vst v63  }
0x1a0: {  	v3 =	vld [tilespmem:$0x220];
	_ =	sdelay $0x4  }
0x1a1: {  	v34 =	vshll.u32 v3, $0x1  }
0x1a2: {  	v3 =	vand.u32 $0x7, v3;
	v4 =	vand.u32 $0xFFFFFFF0, v34  }
0x1a3: {  	v3 =	vor.u32 v3, v4  }
0x1a4: {  	v4 =	vperm.xlane v3, v0;
	_ =	sdelay $0x1  }
0x1a5: {  	v3 =	vperm.xlane v3, v2;
	v4 =	vadd.s32 v1, v4;
	_ =	sdelay $0x1  }
0x1a6: {  	v3 =	vadd.s32 v1, v3;
	_ =	sdelay $0x1  }
0x1a7: {  	s19 =	simm.s32 $0x2400  }
0x1a8: {  	[tilespmem:s19], [sflag:$0x1] =	stream.indirect_vreg.gather [hbm4b:s4+s2], $0x80, v4, vm0, $0xb8;
	[tilespmem:$0x10400] =	vst v63  }
0x1a9: {  	s18 =	simm.s32 $0x2C00  }
0x1aa: {  	[tilespmem:s18], [sflag:$0x1] =	stream.indirect_vreg.gather [hbm4b:s4+s2], $0x80, v3, vm0, $0xb8;
	[tilespmem:$0x10400] =	vst v63  }
0x1ab: {  	v3 =	vld [tilespmem:$0x230];
	_ =	sdelay $0x4  }
0x1ac: {  	v35 =	vshll.u32 v3, $0x1  }
0x1ad: {  	v3 =	vand.u32 $0x7, v3;
	v4 =	vand.u32 $0xFFFFFFF0, v35  }
0x1ae: {  	v3 =	vor.u32 v3, v4  }
0x1af: {  	v4 =	vperm.xlane v3, v0;
	_ =	sdelay $0x1  }
0x1b0: {  	v3 =	vperm.xlane v3, v2;
	v4 =	vadd.s32 v1, v4;
	_ =	sdelay $0x1  }
0x1b1: {  	v3 =	vadd.s32 v1, v3;
	_ =	sdelay $0x2  }
0x1b2: {  	[tilespmem:s6], [sflag:$0x1] =	stream.indirect_vreg.gather [hbm4b:s4+s2], $0x80, v4, vm0, $0xb8;
	[tilespmem:$0x10400] =	vst v63  }
0x1b3: {  	_ = 	snop  }
0x1b4: {  	[tilespmem:s9], [sflag:$0x1] =	stream.indirect_vreg.gather [hbm4b:s4+s2], $0x80, v3, vm0, $0xb8;
	[tilespmem:$0x10400] =	vst v63  }
0x1b5: {  	v3 =	vld [tilespmem:$0x240];
	_ =	sdelay $0x4  }
0x1b6: {  	v36 =	vshll.u32 v3, $0x1  }
0x1b7: {  	v3 =	vand.u32 $0x7, v3;
	v4 =	vand.u32 $0xFFFFFFF0, v36  }
0x1b8: {  	v3 =	vor.u32 v3, v4  }
0x1b9: {  	v4 =	vperm.xlane v3, v0;
	_ =	sdelay $0x1  }
0x1ba: {  	v3 =	vperm.xlane v3, v2;
	v4 =	vadd.s32 v1, v4;
	_ =	sdelay $0x1  }
0x1bb: {  	v3 =	vadd.s32 v1, v3;
	_ =	sdelay $0x1  }
0x1bc: {  	s19 =	simm.s32 $0x4400  }
0x1bd: {  	[tilespmem:s19], [sflag:$0x1] =	stream.indirect_vreg.gather [hbm4b:s4+s2], $0x80, v4, vm0, $0xb8;
	[tilespmem:$0x10400] =	vst v63  }
0x1be: {  	_ = 	snop  }
0x1bf: {  	[tilespmem:s20], [sflag:$0x1] =	stream.indirect_vreg.gather [hbm4b:s4+s2], $0x80, v3, vm0, $0xb8;
	[tilespmem:$0x10400] =	vst v63  }
0x1c0: {  	v3 =	vld [tilespmem:$0x250];
	_ =	sdelay $0x4  }
0x1c1: {  	v37 =	vshll.u32 v3, $0x1  }
0x1c2: {  	v3 =	vand.u32 $0x7, v3;
	v4 =	vand.u32 $0xFFFFFFF0, v37  }
0x1c3: {  	v3 =	vor.u32 v3, v4  }
0x1c4: {  	v4 =	vperm.xlane v3, v0;
	_ =	sdelay $0x1  }
0x1c5: {  	v3 =	vperm.xlane v3, v2;
	v4 =	vadd.s32 v1, v4;
	_ =	sdelay $0x1  }
0x1c6: {  	v3 =	vadd.s32 v1, v3;
	_ =	sdelay $0x2  }
0x1c7: {  	[tilespmem:s10], [sflag:$0x1] =	stream.indirect_vreg.gather [hbm4b:s4+s2], $0x80, v4, vm0, $0xb8;
	[tilespmem:$0x10400] =	vst v63  }
0x1c8: {  	_ = 	snop  }
0x1c9: {  	[tilespmem:s11], [sflag:$0x1] =	stream.indirect_vreg.gather [hbm4b:s4+s2], $0x80, v3, vm0, $0xb8;
	[tilespmem:$0x10400] =	vst v63  }
0x1ca: {  	v3 =	vld [tilespmem:$0x260];
	_ =	sdelay $0x4  }
0x1cb: {  	v38 =	vshll.u32 v3, $0x1  }
0x1cc: {  	v3 =	vand.u32 $0x7, v3;
	v4 =	vand.u32 $0xFFFFFFF0, v38  }
0x1cd: {  	v3 =	vor.u32 v3, v4  }
0x1ce: {  	v4 =	vperm.xlane v3, v0;
	_ =	sdelay $0x1  }
0x1cf: {  	v3 =	vperm.xlane v3, v2;
	v4 =	vadd.s32 v1, v4;
	_ =	sdelay $0x1  }
0x1d0: {  	v3 =	vadd.s32 v1, v3;
	_ =	sdelay $0x2  }
0x1d1: {  	[tilespmem:s12], [sflag:$0x1] =	stream.indirect_vreg.gather [hbm4b:s4+s2], $0x80, v4, vm0, $0xb8;
	[tilespmem:$0x10400] =	vst v63  }
0x1d2: {  	_ = 	snop  }
0x1d3: {  	[tilespmem:s15], [sflag:$0x1] =	stream.indirect_vreg.gather [hbm4b:s4+s2], $0x80, v3, vm0, $0xb8;
	[tilespmem:$0x10400] =	vst v63  }
0x1d4: {  	v3 =	vld [tilespmem:$0x270];
	_ =	sdelay $0x4  }
0x1d5: {  	v39 =	vshll.u32 v3, $0x1  }
0x1d6: {  	v3 =	vand.u32 $0x7, v3;
	v4 =	vand.u32 $0xFFFFFFF0, v39  }
0x1d7: {  	v3 =	vor.u32 v3, v4  }
0x1d8: {  	v4 =	vperm.xlane v3, v0;
	_ =	sdelay $0x1  }
0x1d9: {  	v3 =	vperm.xlane v3, v2;
	v4 =	vadd.s32 v1, v4;
	_ =	sdelay $0x1  }
0x1da: {  	v3 =	vadd.s32 v1, v3;
	_ =	sdelay $0x2  }
0x1db: {  	[tilespmem:s17], [sflag:$0x1] =	stream.indirect_vreg.gather [hbm4b:s4+s2], $0x80, v4, vm0, $0xb8;
	[tilespmem:$0x10400] =	vst v63  }
0x1dc: {  	_ = 	snop  }
0x1dd: {  	[tilespmem:s8], [sflag:$0x1] =	stream.indirect_vreg.gather [hbm4b:s4+s2], $0x80, v3, vm0, $0xb8;
	[tilespmem:$0x10400] =	vst v63  }
0x1de: {  	_ =	swait.ge [sflag:s23], $0x8000  }
0x1df: {  	[sflag:s23] =	ssyncset.done $0x0  }
0x1e0: {  	s20 =	rddreg [dreg:$0x7];
	[sflag:s23] =	ssyncadd.s32 $0xFFFF8000  }
0x1e1: {  	[hbm4b:s20+s2] =	stream.linear.scatter [tilespmem:s26], [sflag:$0x2], $0x8000, $0x38;
	[tilespmem:$0x10400] =	vst v63  }
0x1e2: {  	_ =	swait.ge [sflag:s13], $0x8000  }
0x1e3: {  	[sflag:s13] =	ssyncset.done $0x0  }
0x1e4: {  	[sflag:s13] =	ssyncadd.s32 $0xFFFF8000  }
0x1e5: {  	v3 =	vld [tilespmem:$0x280];
	_ =	sdelay $0x4  }
0x1e6: {  	v40 =	vshll.u32 v3, $0x1  }
0x1e7: {  	v3 =	vand.u32 $0x7, v3;
	v4 =	vand.u32 $0xFFFFFFF0, v40  }
0x1e8: {  	v3 =	vor.u32 v3, v4  }
0x1e9: {  	v4 =	vperm.xlane v3, v0;
	_ =	sdelay $0x1  }
0x1ea: {  	v3 =	vperm.xlane v3, v2;
	v4 =	vadd.s32 v1, v4;
	_ =	sdelay $0x1  }
0x1eb: {  	v3 =	vadd.s32 v1, v3;
	_ =	sdelay $0x2  }
0x1ec: {  	[tilespmem:s24], [sflag:$0x1] =	stream.indirect_vreg.gather [hbm4b:s4+s2], $0x80, v4, vm0, $0xb8;
	[tilespmem:$0x10400] =	vst v63  }
0x1ed: {  	_ = 	snop  }
0x1ee: {  	[tilespmem:s1], [sflag:$0x1] =	stream.indirect_vreg.gather [hbm4b:s4+s2], $0x80, v3, vm0, $0xb8;
	[tilespmem:$0x10400] =	vst v63  }
0x1ef: {  	v3 =	vld [tilespmem:$0x290];
	_ =	sdelay $0x4  }
0x1f0: {  	v41 =	vshll.u32 v3, $0x1  }
0x1f1: {  	v3 =	vand.u32 $0x7, v3;
	v4 =	vand.u32 $0xFFFFFFF0, v41  }
0x1f2: {  	v3 =	vor.u32 v3, v4  }
0x1f3: {  	v4 =	vperm.xlane v3, v0;
	_ =	sdelay $0x1  }
0x1f4: {  	v3 =	vperm.xlane v3, v2;
	v4 =	vadd.s32 v1, v4;
	_ =	sdelay $0x1  }
0x1f5: {  	v3 =	vadd.s32 v1, v3;
	_ =	sdelay $0x2  }
0x1f6: {  	[tilespmem:s0], [sflag:$0x1] =	stream.indirect_vreg.gather [hbm4b:s4+s2], $0x80, v4, vm0, $0xb8;
	[tilespmem:$0x10400] =	vst v63  }
0x1f7: {  	_ = 	snop  }
0x1f8: {  	[tilespmem:s3], [sflag:$0x1] =	stream.indirect_vreg.gather [hbm4b:s4+s2], $0x80, v3, vm0, $0xb8;
	[tilespmem:$0x10400] =	vst v63  }
0x1f9: {  	v3 =	vld [tilespmem:$0x2A0];
	_ =	sdelay $0x4  }
0x1fa: {  	v42 =	vshll.u32 v3, $0x1  }
0x1fb: {  	v3 =	vand.u32 $0x7, v3;
	v4 =	vand.u32 $0xFFFFFFF0, v42  }
0x1fc: {  	v3 =	vor.u32 v3, v4  }
0x1fd: {  	v4 =	vperm.xlane v3, v0;
	_ =	sdelay $0x1  }
0x1fe: {  	v3 =	vperm.xlane v3, v2;
	v4 =	vadd.s32 v1, v4;
	_ =	sdelay $0x1  }
0x1ff: {  	v3 =	vadd.s32 v1, v3;
	_ =	sdelay $0x1  }
0x200: {  	s28 =	simm.s32 $0xA400  }
0x201: {  	[tilespmem:s28], [sflag:$0x1] =	stream.indirect_vreg.gather [hbm4b:s4+s2], $0x80, v4, vm0, $0xb8;
	[tilespmem:$0x10400] =	vst v63  }
0x202: {  	_ = 	snop  }
0x203: {  	[tilespmem:s16], [sflag:$0x1] =	stream.indirect_vreg.gather [hbm4b:s4+s2], $0x80, v3, vm0, $0xb8;
	[tilespmem:$0x10400] =	vst v63  }
0x204: {  	v3 =	vld [tilespmem:$0x2B0];
	_ =	sdelay $0x4  }
0x205: {  	v43 =	vshll.u32 v3, $0x1  }
0x206: {  	v3 =	vand.u32 $0x7, v3;
	v4 =	vand.u32 $0xFFFFFFF0, v43  }
0x207: {  	v3 =	vor.u32 v3, v4  }
0x208: {  	v4 =	vperm.xlane v3, v0;
	_ =	sdelay $0x1  }
0x209: {  	v3 =	vperm.xlane v3, v2;
	v4 =	vadd.s32 v1, v4;
	_ =	sdelay $0x1  }
0x20a: {  	v3 =	vadd.s32 v1, v3;
	_ =	sdelay $0x1  }
0x20b: {  	s29 =	simm.s32 $0xB400  }
0x20c: {  	[tilespmem:s29], [sflag:$0x1] =	stream.indirect_vreg.gather [hbm4b:s4+s2], $0x80, v4, vm0, $0xb8;
	[tilespmem:$0x10400] =	vst v63  }
0x20d: {  	_ = 	snop  }
0x20e: {  	[tilespmem:s7], [sflag:$0x1] =	stream.indirect_vreg.gather [hbm4b:s4+s2], $0x80, v3, vm0, $0xb8;
	[tilespmem:$0x10400] =	vst v63  }
0x20f: {  	v3 =	vld [tilespmem:$0x2C0];
	_ =	sdelay $0x4  }
0x210: {  	v44 =	vshll.u32 v3, $0x1  }
0x211: {  	v3 =	vand.u32 $0x7, v3;
	v4 =	vand.u32 $0xFFFFFFF0, v44  }
0x212: {  	v3 =	vor.u32 v3, v4  }
0x213: {  	v4 =	vperm.xlane v3, v0;
	_ =	sdelay $0x1  }
0x214: {  	v3 =	vperm.xlane v3, v2;
	v4 =	vadd.s32 v1, v4;
	_ =	sdelay $0x1  }
0x215: {  	v3 =	vadd.s32 v1, v3;
	_ =	sdelay $0x1  }
0x216: {  	s29 =	simm.s32 $0xC400  }
0x217: {  	[tilespmem:s29], [sflag:$0x1] =	stream.indirect_vreg.gather [hbm4b:s4+s2], $0x80, v4, vm0, $0xb8;
	[tilespmem:$0x10400] =	vst v63  }
0x218: {  	s22 =	simm.s32 $0xCC00  }
0x219: {  	[tilespmem:s22], [sflag:$0x1] =	stream.indirect_vreg.gather [hbm4b:s4+s2], $0x80, v3, vm0, $0xb8;
	[tilespmem:$0x10400] =	vst v63  }
0x21a: {  	v3 =	vld [tilespmem:$0x2D0];
	_ =	sdelay $0x4  }
0x21b: {  	v45 =	vshll.u32 v3, $0x1  }
0x21c: {  	v3 =	vand.u32 $0x7, v3;
	v4 =	vand.u32 $0xFFFFFFF0, v45  }
0x21d: {  	v3 =	vor.u32 v3, v4  }
0x21e: {  	v4 =	vperm.xlane v3, v0;
	_ =	sdelay $0x1  }
0x21f: {  	v3 =	vperm.xlane v3, v2;
	v4 =	vadd.s32 v1, v4;
	_ =	sdelay $0x1  }
0x220: {  	v3 =	vadd.s32 v1, v3;
	_ =	sdelay $0x1  }
0x221: {  	s30 =	simm.s32 $0xD400  }
0x222: {  	[tilespmem:s30], [sflag:$0x1] =	stream.indirect_vreg.gather [hbm4b:s4+s2], $0x80, v4, vm0, $0xb8;
	[tilespmem:$0x10400] =	vst v63  }
0x223: {  	s31 =	simm.s32 $0xDC00  }
0x224: {  	[tilespmem:s31], [sflag:$0x1] =	stream.indirect_vreg.gather [hbm4b:s4+s2], $0x80, v3, vm0, $0xb8;
	[tilespmem:$0x10400] =	vst v63  }
0x225: {  	v3 =	vld [tilespmem:$0x2E0];
	_ =	sdelay $0x4  }
0x226: {  	v46 =	vshll.u32 v3, $0x1  }
0x227: {  	v3 =	vand.u32 $0x7, v3;
	v4 =	vand.u32 $0xFFFFFFF0, v46  }
0x228: {  	v3 =	vor.u32 v3, v4  }
0x229: {  	v4 =	vperm.xlane v3, v0;
	_ =	sdelay $0x1  }
0x22a: {  	v3 =	vperm.xlane v3, v2;
	v4 =	vadd.s32 v1, v4;
	_ =	sdelay $0x1  }
0x22b: {  	v3 =	vadd.s32 v1, v3;
	_ =	sdelay $0x1  }
0x22c: {  	s31 =	simm.s32 $0xE400  }
0x22d: {  	[tilespmem:s31], [sflag:$0x1] =	stream.indirect_vreg.gather [hbm4b:s4+s2], $0x80, v4, vm0, $0xb8;
	[tilespmem:$0x10400] =	vst v63  }
0x22e: {  	s29 =	simm.s32 $0xEC00  }
0x22f: {  	[tilespmem:s29], [sflag:$0x1] =	stream.indirect_vreg.gather [hbm4b:s4+s2], $0x80, v3, vm0, $0xb8;
	[tilespmem:$0x10400] =	vst v63  }
0x230: {  	v3 =	vld [tilespmem:$0x2F0];
	_ =	sdelay $0x4  }
0x231: {  	v47 =	vshll.u32 v3, $0x1  }
0x232: {  	v3 =	vand.u32 $0x7, v3;
	v4 =	vand.u32 $0xFFFFFFF0, v47  }
0x233: {  	v3 =	vor.u32 v3, v4  }
0x234: {  	v4 =	vperm.xlane v3, v0;
	_ =	sdelay $0x1  }
0x235: {  	v3 =	vperm.xlane v3, v2;
	v4 =	vadd.s32 v1, v4;
	_ =	sdelay $0x1  }
0x236: {  	v3 =	vadd.s32 v1, v3;
	_ =	sdelay $0x1  }
0x237: {  	s25 =	simm.s32 $0xF400  }
0x238: {  	[tilespmem:s25], [sflag:$0x1] =	stream.indirect_vreg.gather [hbm4b:s4+s2], $0x80, v4, vm0, $0xb8;
	[tilespmem:$0x10400] =	vst v63  }
0x239: {  	s25 =	simm.s32 $0xFC00  }
0x23a: {  	[tilespmem:s25], [sflag:$0x1] =	stream.indirect_vreg.gather [hbm4b:s4+s2], $0x80, v3, vm0, $0xb8;
	[tilespmem:$0x10400] =	vst v63  }
0x23b: {  	_ =	swait.ge [sflag:s23], $0x8000  }
0x23c: {  	[sflag:s23] =	ssyncset.done $0x0  }
0x23d: {  	s14 =	rddreg [dreg:$0x8];
	[sflag:s23] =	ssyncadd.s32 $0xFFFF8000  }
0x23e: {  	[hbm4b:s14+s2] =	stream.linear.scatter [tilespmem:s24], [sflag:$0x2], $0x8000, $0x38;
	[tilespmem:$0x10400] =	vst v63  }
0x23f: {  	_ =	swait.ge [sflag:s13], $0x8000  }
0x240: {  	[sflag:s13] =	ssyncset.done $0x0  }
0x241: {  	[sflag:s13] =	ssyncadd.s32 $0xFFFF8000  }
0x242: {  	v3 =	vld [tilespmem:$0x300];
	_ =	sdelay $0x4  }
0x243: {  	v48 =	vshll.u32 v3, $0x1  }
0x244: {  	v3 =	vand.u32 $0x7, v3;
	v4 =	vand.u32 $0xFFFFFFF0, v48  }
0x245: {  	v3 =	vor.u32 v3, v4  }
0x246: {  	v4 =	vperm.xlane v3, v0;
	_ =	sdelay $0x1  }
0x247: {  	v3 =	vperm.xlane v3, v2;
	v4 =	vadd.s32 v1, v4;
	_ =	sdelay $0x1  }
0x248: {  	v3 =	vadd.s32 v1, v3;
	_ =	sdelay $0x2  }
0x249: {  	[tilespmem:s26], [sflag:$0x1] =	stream.indirect_vreg.gather [hbm4b:s4+s2], $0x80, v4, vm0, $0xb8;
	[tilespmem:$0x10400] =	vst v63  }
0x24a: {  	s14 =	simm.s32 $0xC00  }
0x24b: {  	[tilespmem:s14], [sflag:$0x1] =	stream.indirect_vreg.gather [hbm4b:s4+s2], $0x80, v3, vm0, $0xb8;
	[tilespmem:$0x10400] =	vst v63  }
0x24c: {  	v3 =	vld [tilespmem:$0x310];
	_ =	sdelay $0x4  }
0x24d: {  	v49 =	vshll.u32 v3, $0x1  }
0x24e: {  	v3 =	vand.u32 $0x7, v3;
	v4 =	vand.u32 $0xFFFFFFF0, v49  }
0x24f: {  	v3 =	vor.u32 v3, v4  }
0x250: {  	v4 =	vperm.xlane v3, v0;
	_ =	sdelay $0x1  }
0x251: {  	v3 =	vperm.xlane v3, v2;
	v4 =	vadd.s32 v1, v4;
	_ =	sdelay $0x1  }
0x252: {  	v3 =	vadd.s32 v1, v3;
	_ =	sdelay $0x1  }
0x253: {  	s14 =	simm.s32 $0x1400  }
0x254: {  	[tilespmem:s14], [sflag:$0x1] =	stream.indirect_vreg.gather [hbm4b:s4+s2], $0x80, v4, vm0, $0xb8;
	[tilespmem:$0x10400] =	vst v63  }
0x255: {  	s21 =	simm.s32 $0x1C00  }
0x256: {  	[tilespmem:s21], [sflag:$0x1] =	stream.indirect_vreg.gather [hbm4b:s4+s2], $0x80, v3, vm0, $0xb8;
	[tilespmem:$0x10400] =	vst v63  }
0x257: {  	v3 =	vld [tilespmem:$0x320];
	_ =	sdelay $0x4  }
0x258: {  	v50 =	vshll.u32 v3, $0x1  }
0x259: {  	v3 =	vand.u32 $0x7, v3;
	v4 =	vand.u32 $0xFFFFFFF0, v50  }
0x25a: {  	v3 =	vor.u32 v3, v4  }
0x25b: {  	v4 =	vperm.xlane v3, v0;
	_ =	sdelay $0x1  }
0x25c: {  	v3 =	vperm.xlane v3, v2;
	v4 =	vadd.s32 v1, v4;
	_ =	sdelay $0x1  }
0x25d: {  	v3 =	vadd.s32 v1, v3;
	_ =	sdelay $0x1  }
0x25e: {  	s21 =	simm.s32 $0x2400  }
0x25f: {  	[tilespmem:s21], [sflag:$0x1] =	stream.indirect_vreg.gather [hbm4b:s4+s2], $0x80, v4, vm0, $0xb8;
	[tilespmem:$0x10400] =	vst v63  }
0x260: {  	s21 =	simm.s32 $0x2C00  }
0x261: {  	[tilespmem:s21], [sflag:$0x1] =	stream.indirect_vreg.gather [hbm4b:s4+s2], $0x80, v3, vm0, $0xb8;
	[tilespmem:$0x10400] =	vst v63  }
0x262: {  	v3 =	vld [tilespmem:$0x330];
	_ =	sdelay $0x4  }
0x263: {  	v51 =	vshll.u32 v3, $0x1  }
0x264: {  	v3 =	vand.u32 $0x7, v3;
	v4 =	vand.u32 $0xFFFFFFF0, v51  }
0x265: {  	v3 =	vor.u32 v3, v4  }
0x266: {  	v4 =	vperm.xlane v3, v0;
	_ =	sdelay $0x1  }
0x267: {  	v3 =	vperm.xlane v3, v2;
	v4 =	vadd.s32 v1, v4;
	_ =	sdelay $0x1  }
0x268: {  	v3 =	vadd.s32 v1, v3;
	_ =	sdelay $0x1  }
0x269: {  	s6 =	simm.s32 $0x3400  }
0x26a: {  	[tilespmem:s6], [sflag:$0x1] =	stream.indirect_vreg.gather [hbm4b:s4+s2], $0x80, v4, vm0, $0xb8;
	[tilespmem:$0x10400] =	vst v63  }
0x26b: {  	s9 =	simm.s32 $0x3C00  }
0x26c: {  	[tilespmem:s9], [sflag:$0x1] =	stream.indirect_vreg.gather [hbm4b:s4+s2], $0x80, v3, vm0, $0xb8;
	[tilespmem:$0x10400] =	vst v63  }
0x26d: {  	v3 =	vld [tilespmem:$0x340];
	_ =	sdelay $0x4  }
0x26e: {  	v52 =	vshll.u32 v3, $0x1  }
0x26f: {  	v3 =	vand.u32 $0x7, v3;
	v4 =	vand.u32 $0xFFFFFFF0, v52  }
0x270: {  	v3 =	vor.u32 v3, v4  }
0x271: {  	v4 =	vperm.xlane v3, v0;
	_ =	sdelay $0x1  }
0x272: {  	v3 =	vperm.xlane v3, v2;
	v4 =	vadd.s32 v1, v4;
	_ =	sdelay $0x1  }
0x273: {  	v3 =	vadd.s32 v1, v3;
	_ =	sdelay $0x1  }
0x274: {  	s14 =	simm.s32 $0x4400  }
0x275: {  	[tilespmem:s14], [sflag:$0x1] =	stream.indirect_vreg.gather [hbm4b:s4+s2], $0x80, v4, vm0, $0xb8;
	[tilespmem:$0x10400] =	vst v63  }
0x276: {  	s19 =	simm.s32 $0x4C00  }
0x277: {  	[tilespmem:s19], [sflag:$0x1] =	stream.indirect_vreg.gather [hbm4b:s4+s2], $0x80, v3, vm0, $0xb8;
	[tilespmem:$0x10400] =	vst v63  }
0x278: {  	v3 =	vld [tilespmem:$0x350];
	_ =	sdelay $0x4  }
0x279: {  	v53 =	vshll.u32 v3, $0x1  }
0x27a: {  	v3 =	vand.u32 $0x7, v3;
	v4 =	vand.u32 $0xFFFFFFF0, v53  }
0x27b: {  	v3 =	vor.u32 v3, v4  }
0x27c: {  	v4 =	vperm.xlane v3, v0;
	_ =	sdelay $0x1  }
0x27d: {  	v3 =	vperm.xlane v3, v2;
	v4 =	vadd.s32 v1, v4;
	_ =	sdelay $0x1  }
0x27e: {  	v3 =	vadd.s32 v1, v3;
	_ =	sdelay $0x1  }
0x27f: {  	s10 =	simm.s32 $0x5400  }
0x280: {  	[tilespmem:s10], [sflag:$0x1] =	stream.indirect_vreg.gather [hbm4b:s4+s2], $0x80, v4, vm0, $0xb8;
	[tilespmem:$0x10400] =	vst v63  }
0x281: {  	s11 =	simm.s32 $0x5C00  }
0x282: {  	[tilespmem:s11], [sflag:$0x1] =	stream.indirect_vreg.gather [hbm4b:s4+s2], $0x80, v3, vm0, $0xb8;
	[tilespmem:$0x10400] =	vst v63  }
0x283: {  	v3 =	vld [tilespmem:$0x360];
	_ =	sdelay $0x4  }
0x284: {  	v54 =	vshll.u32 v3, $0x1  }
0x285: {  	v3 =	vand.u32 $0x7, v3;
	v4 =	vand.u32 $0xFFFFFFF0, v54  }
0x286: {  	v3 =	vor.u32 v3, v4  }
0x287: {  	v4 =	vperm.xlane v3, v0;
	_ =	sdelay $0x1  }
0x288: {  	v3 =	vperm.xlane v3, v2;
	v4 =	vadd.s32 v1, v4;
	_ =	sdelay $0x1  }
0x289: {  	v3 =	vadd.s32 v1, v3;
	_ =	sdelay $0x1  }
0x28a: {  	s18 =	simm.s32 $0x6400  }
0x28b: {  	[tilespmem:s18], [sflag:$0x1] =	stream.indirect_vreg.gather [hbm4b:s4+s2], $0x80, v4, vm0, $0xb8;
	[tilespmem:$0x10400] =	vst v63  }
0x28c: {  	s15 =	simm.s32 $0x6C00  }
0x28d: {  	[tilespmem:s15], [sflag:$0x1] =	stream.indirect_vreg.gather [hbm4b:s4+s2], $0x80, v3, vm0, $0xb8;
	[tilespmem:$0x10400] =	vst v63  }
0x28e: {  	v3 =	vld [tilespmem:$0x370];
	_ =	sdelay $0x4  }
0x28f: {  	v55 =	vshll.u32 v3, $0x1  }
0x290: {  	v3 =	vand.u32 $0x7, v3;
	v4 =	vand.u32 $0xFFFFFFF0, v55  }
0x291: {  	v3 =	vor.u32 v3, v4  }
0x292: {  	v4 =	vperm.xlane v3, v0;
	_ =	sdelay $0x1  }
0x293: {  	v3 =	vperm.xlane v3, v2;
	v4 =	vadd.s32 v1, v4;
	_ =	sdelay $0x1  }
0x294: {  	v3 =	vadd.s32 v1, v3;
	_ =	sdelay $0x1  }
0x295: {  	s17 =	simm.s32 $0x7400  }
0x296: {  	[tilespmem:s17], [sflag:$0x1] =	stream.indirect_vreg.gather [hbm4b:s4+s2], $0x80, v4, vm0, $0xb8;
	[tilespmem:$0x10400] =	vst v63  }
0x297: {  	s12 =	simm.s32 $0x7C00  }
0x298: {  	[tilespmem:s12], [sflag:$0x1] =	stream.indirect_vreg.gather [hbm4b:s4+s2], $0x80, v3, vm0, $0xb8;
	[tilespmem:$0x10400] =	vst v63  }
0x299: {  	_ =	swait.ge [sflag:s23], $0x8000  }
0x29a: {  	[sflag:s23] =	ssyncset.done $0x0  }
0x29b: {  	s21 =	rddreg [dreg:$0x9];
	[sflag:s23] =	ssyncadd.s32 $0xFFFF8000  }
0x29c: {  	[hbm4b:s21+s2] =	stream.linear.scatter [tilespmem:s26], [sflag:$0x2], $0x8000, $0x38;
	[tilespmem:$0x10400] =	vst v63  }
0x29d: {  	_ =	swait.ge [sflag:s13], $0x8000  }
0x29e: {  	[sflag:s13] =	ssyncset.done $0x0  }
0x29f: {  	[sflag:s13] =	ssyncadd.s32 $0xFFFF8000  }
0x2a0: {  	v3 =	vld [tilespmem:$0x380];
	_ =	sdelay $0x4  }
0x2a1: {  	v56 =	vshll.u32 v3, $0x1  }
0x2a2: {  	v3 =	vand.u32 $0x7, v3;
	v4 =	vand.u32 $0xFFFFFFF0, v56  }
0x2a3: {  	v3 =	vor.u32 v3, v4  }
0x2a4: {  	v4 =	vperm.xlane v3, v0;
	_ =	sdelay $0x1  }
0x2a5: {  	v3 =	vperm.xlane v3, v2;
	v4 =	vadd.s32 v1, v4;
	_ =	sdelay $0x1  }
0x2a6: {  	v3 =	vadd.s32 v1, v3;
	_ =	sdelay $0x2  }
0x2a7: {  	[tilespmem:s24], [sflag:$0x1] =	stream.indirect_vreg.gather [hbm4b:s4+s2], $0x80, v4, vm0, $0xb8;
	[tilespmem:$0x10400] =	vst v63  }
0x2a8: {  	s1 =	simm.s32 $0x8C00  }
0x2a9: {  	[tilespmem:s1], [sflag:$0x1] =	stream.indirect_vreg.gather [hbm4b:s4+s2], $0x80, v3, vm0, $0xb8;
	[tilespmem:$0x10400] =	vst v63  }
0x2aa: {  	v3 =	vld [tilespmem:$0x390];
	_ =	sdelay $0x4  }
0x2ab: {  	v57 =	vshll.u32 v3, $0x1  }
0x2ac: {  	v3 =	vand.u32 $0x7, v3;
	v4 =	vand.u32 $0xFFFFFFF0, v57  }
0x2ad: {  	v3 =	vor.u32 v3, v4  }
0x2ae: {  	v4 =	vperm.xlane v3, v0;
	_ =	sdelay $0x1  }
0x2af: {  	v3 =	vperm.xlane v3, v2;
	v4 =	vadd.s32 v1, v4;
	_ =	sdelay $0x1  }
0x2b0: {  	v3 =	vadd.s32 v1, v3;
	_ =	sdelay $0x1  }
0x2b1: {  	s0 =	simm.s32 $0x9400  }
0x2b2: {  	[tilespmem:s0], [sflag:$0x1] =	stream.indirect_vreg.gather [hbm4b:s4+s2], $0x80, v4, vm0, $0xb8;
	[tilespmem:$0x10400] =	vst v63  }
0x2b3: {  	s3 =	simm.s32 $0x9C00  }
0x2b4: {  	[tilespmem:s3], [sflag:$0x1] =	stream.indirect_vreg.gather [hbm4b:s4+s2], $0x80, v3, vm0, $0xb8;
	[tilespmem:$0x10400] =	vst v63  }
0x2b5: {  	v3 =	vld [tilespmem:$0x3A0];
	_ =	sdelay $0x4  }
0x2b6: {  	v58 =	vshll.u32 v3, $0x1  }
0x2b7: {  	v3 =	vand.u32 $0x7, v3;
	v4 =	vand.u32 $0xFFFFFFF0, v58  }
0x2b8: {  	v3 =	vor.u32 v3, v4  }
0x2b9: {  	v4 =	vperm.xlane v3, v0;
	_ =	sdelay $0x1  }
0x2ba: {  	v3 =	vperm.xlane v3, v2;
	v4 =	vadd.s32 v1, v4;
	_ =	sdelay $0x1  }
0x2bb: {  	v3 =	vadd.s32 v1, v3;
	_ =	sdelay $0x1  }
0x2bc: {  	s20 =	simm.s32 $0xA400  }
0x2bd: {  	[tilespmem:s20], [sflag:$0x1] =	stream.indirect_vreg.gather [hbm4b:s4+s2], $0x80, v4, vm0, $0xb8;
	[tilespmem:$0x10400] =	vst v63  }
0x2be: {  	s8 =	simm.s32 $0xAC00  }
0x2bf: {  	[tilespmem:s8], [sflag:$0x1] =	stream.indirect_vreg.gather [hbm4b:s4+s2], $0x80, v3, vm0, $0xb8;
	[tilespmem:$0x10400] =	vst v63  }
0x2c0: {  	v3 =	vld [tilespmem:$0x3B0];
	_ =	sdelay $0x4  }
0x2c1: {  	v59 =	vshll.u32 v3, $0x1  }
0x2c2: {  	v3 =	vand.u32 $0x7, v3;
	v4 =	vand.u32 $0xFFFFFFF0, v59  }
0x2c3: {  	v3 =	vor.u32 v3, v4  }
0x2c4: {  	v4 =	vperm.xlane v3, v0;
	_ =	sdelay $0x1  }
0x2c5: {  	v3 =	vperm.xlane v3, v2;
	v4 =	vadd.s32 v1, v4;
	_ =	sdelay $0x1  }
0x2c6: {  	v3 =	vadd.s32 v1, v3;
	_ =	sdelay $0x1  }
0x2c7: {  	s28 =	simm.s32 $0xB400  }
0x2c8: {  	[tilespmem:s28], [sflag:$0x1] =	stream.indirect_vreg.gather [hbm4b:s4+s2], $0x80, v4, vm0, $0xb8;
	[tilespmem:$0x10400] =	vst v63  }
0x2c9: {  	s7 =	simm.s32 $0xBC00  }
0x2ca: {  	[tilespmem:s7], [sflag:$0x1] =	stream.indirect_vreg.gather [hbm4b:s4+s2], $0x80, v3, vm0, $0xb8;
	[tilespmem:$0x10400] =	vst v63  }
0x2cb: {  	v3 =	vld [tilespmem:$0x3C0];
	_ =	sdelay $0x4  }
0x2cc: {  	v60 =	vshll.u32 v3, $0x1  }
0x2cd: {  	v3 =	vand.u32 $0x7, v3;
	v4 =	vand.u32 $0xFFFFFFF0, v60  }
0x2ce: {  	v3 =	vor.u32 v3, v4  }
0x2cf: {  	v4 =	vperm.xlane v3, v0;
	_ =	sdelay $0x1  }
0x2d0: {  	v3 =	vperm.xlane v3, v2;
	v4 =	vadd.s32 v1, v4;
	_ =	sdelay $0x1  }
0x2d1: {  	v3 =	vadd.s32 v1, v3;
	_ =	sdelay $0x1  }
0x2d2: {  	s28 =	simm.s32 $0xC400  }
0x2d3: {  	[tilespmem:s28], [sflag:$0x1] =	stream.indirect_vreg.gather [hbm4b:s4+s2], $0x80, v4, vm0, $0xb8;
	[tilespmem:$0x10400] =	vst v63  }
0x2d4: {  	s16 =	simm.s32 $0xCC00  }
0x2d5: {  	[tilespmem:s16], [sflag:$0x1] =	stream.indirect_vreg.gather [hbm4b:s4+s2], $0x80, v3, vm0, $0xb8;
	[tilespmem:$0x10400] =	vst v63  }
0x2d6: {  	v3 =	vld [tilespmem:$0x3D0];
	_ =	sdelay $0x4  }
0x2d7: {  	v61 =	vshll.u32 v3, $0x1  }
0x2d8: {  	v3 =	vand.u32 $0x7, v3;
	v4 =	vand.u32 $0xFFFFFFF0, v61  }
0x2d9: {  	v3 =	vor.u32 v3, v4  }
0x2da: {  	v4 =	vperm.xlane v3, v0;
	_ =	sdelay $0x1  }
0x2db: {  	v3 =	vperm.xlane v3, v2;
	v4 =	vadd.s32 v1, v4;
	_ =	sdelay $0x1  }
0x2dc: {  	v3 =	vadd.s32 v1, v3;
	_ =	sdelay $0x1  }
0x2dd: {  	s22 =	simm.s32 $0xD400  }
0x2de: {  	[tilespmem:s22], [sflag:$0x1] =	stream.indirect_vreg.gather [hbm4b:s4+s2], $0x80, v4, vm0, $0xb8;
	[tilespmem:$0x10400] =	vst v63  }
0x2df: {  	s30 =	simm.s32 $0xDC00  }
0x2e0: {  	[tilespmem:s30], [sflag:$0x1] =	stream.indirect_vreg.gather [hbm4b:s4+s2], $0x80, v3, vm0, $0xb8;
	[tilespmem:$0x10400] =	vst v63  }
0x2e1: {  	v3 =	vld [tilespmem:$0x3E0];
	_ =	sdelay $0x4  }
0x2e2: {  	v62 =	vshll.u32 v3, $0x1  }
0x2e3: {  	v3 =	vand.u32 $0x7, v3;
	v4 =	vand.u32 $0xFFFFFFF0, v62  }
0x2e4: {  	v3 =	vor.u32 v3, v4  }
0x2e5: {  	v4 =	vperm.xlane v3, v0;
	_ =	sdelay $0x1  }
0x2e6: {  	v3 =	vperm.xlane v3, v2;
	v4 =	vadd.s32 v1, v4;
	_ =	sdelay $0x1  }
0x2e7: {  	v3 =	vadd.s32 v1, v3;
	_ =	sdelay $0x1  }
0x2e8: {  	s31 =	simm.s32 $0xE400  }
0x2e9: {  	[tilespmem:s31], [sflag:$0x1] =	stream.indirect_vreg.gather [hbm4b:s4+s2], $0x80, v4, vm0, $0xb8;
	[tilespmem:$0x10400] =	vst v63  }
0x2ea: {  	s30 =	simm.s32 $0xEC00  }
0x2eb: {  	[tilespmem:s30], [sflag:$0x1] =	stream.indirect_vreg.gather [hbm4b:s4+s2], $0x80, v3, vm0, $0xb8;
	[tilespmem:$0x10400] =	vst v63  }
0x2ec: {  	v3 =	vld [tilespmem:$0x3F0];
	_ =	sdelay $0x4  }
0x2ed: {  	v63 =	vshll.u32 v3, $0x1  }
0x2ee: {  	v3 =	vand.u32 $0x7, v3;
	v4 =	vand.u32 $0xFFFFFFF0, v63  }
0x2ef: {  	v3 =	vor.u32 v3, v4  }
0x2f0: {  	v4 =	vperm.xlane v3, v0;
	_ =	sdelay $0x1  }
0x2f1: {  	v3 =	vperm.xlane v3, v2;
	v4 =	vadd.s32 v1, v4;
	_ =	sdelay $0x1  }
0x2f2: {  	v3 =	vadd.s32 v1, v3;
	_ =	sdelay $0x1  }
0x2f3: {  	s29 =	simm.s32 $0xF400  }
0x2f4: {  	[tilespmem:s29], [sflag:$0x1] =	stream.indirect_vreg.gather [hbm4b:s4+s2], $0x80, v4, vm0, $0xb8;
	[tilespmem:$0x10400] =	vst v63  }
0x2f5: {  	s25 =	simm.s32 $0xFC00  }
0x2f6: {  	[tilespmem:s25], [sflag:$0x1] =	stream.indirect_vreg.gather [hbm4b:s4+s2], $0x80, v3, vm0, $0xb8;
	[tilespmem:$0x10400] =	vst v63  }
0x2f7: {  	_ =	swait.ge [sflag:s23], $0x8000  }
0x2f8: {  	p0 =	sne.s32 s5, $0x1;
	[sflag:s23] =	ssyncset.done $0x0  }
.Ltmp0:
0x2f9: {  	s31 =	rddreg [dreg:$0xa];
	[sflag:s23] =	ssyncadd.s32 $0xFFFF8000;
	(pc) =	sbr.rel @p0 .LBB2_1-.Ltmp0, $4  }
0x2fa: {  	[hbm4b:s31+s2] =	stream.linear.scatter [tilespmem:s24], [sflag:$0x2], $0x8000, $0x38;
	[tilespmem:$0x10400] =	vst v63  }
0x2fb: {  	_ =	swait.ge [sflag:s13], $0x8000  }
0x2fc: {  	[sflag:s13] =	ssyncset.done $0x0  }
0x2fd: {  	s5 =	sadd.s32 $0xFFFFFFFF, s5;
	[sflag:s13] =	ssyncadd.s32 $0xFFFF8000  }
0x2fe: {  	_ =	sfence.sel $0x180000  }
0x2ff: {  	[bflag:$0x0] =	sbarrier.arrive $0xFFFF  }
0x300: {  	_ =	strace $0x90000047  }
0x301: {  	s0 =	stileid.u32;
	[bflag:$0x2] =	sbarrier.arrive $0xFFFF  }
0x302: {  	p0 =	sne.s32 s0, $0x0;
	s0 =	rddreg [dreg:$0x2]  }
0x303: {  	s0 =	sadd.s32 @!p0 $0x100000, s0  }
0x304: {  	[sflag:s0] =	ssyncadd.tile.s32 @!p0 $0x1;
	_ =	shalt  }
.Lfunc_end2:
_tile_overlayer_lowered:
.L_overlay_start_2:
0x305: {  	(tag) =	ssettag $0x2  }
0x306: {  	s0 =	rddreg [dreg:$0x0];
	s2 =	stileid.u32  }
0x307: {  	s1 =	rddreg [dreg:$0x1];
	p0 =	sne.s32 s2, $0x0  }
0x308: {  	s3 =	rddreg [dreg:$0x2];
	[bflag:$0x3] =	sbarrier.arrive $0xFFFF;
	s2 =	simm.s32 @!p0 $0x1C03  }
0x309: {  	[timem:s3], [sflag:s2] =	dma.local @!p0 [hbm:s0], s1  }
0x30a: {  	s0 =	simm.s32 @!p0 $0x3  }
0x30b: {  	_ =	swait.ge @!p0 [sflag:s0], s1  }
0x30c: {  	s1 =	ssub.s32 @!p0 $0x0, s1;
	[sflag:s0] =	ssyncset.done @!p0 $0x0  }
0x30d: {  	[sflag:s0] =	ssyncadd.s32 @!p0 s1  }
0x30e: {  	[bflag:$0x3] =	sbarrier.arrive $0xFFFF  }
0x30f: {  	_ =	shalt  }

</sc_bundles>
